<compile_context>
chip_gen: v7x
topology: tpu7x:2x2x1
jax: 0.10.2.dev20260603
libtpu: 0.0.44.dev20260713+nightly
codegen_flags: <defaults>
</compile_context>

<pallas_src>
import functools

import jax
import jax.numpy as jnp
from jax import lax
from jax.experimental import pallas as pl
from jax.experimental.pallas import tpu as pltpu
from jax.experimental.pallas import tpu_sc as plsc

NUM_CORES = 2
NUM_SUBCORES = 16
LANES = 16
NUM_WORKERS = NUM_CORES * NUM_SUBCORES

BATCH = 16384
EMBED = 16
VOCAB = 1000000

BPW = BATCH // NUM_WORKERS
CHUNK = 128
NCHUNKS = BPW // CHUNK

TC_COLS = 131072
TC_GRID = -(-VOCAB // TC_COLS)
S_ROWS = TC_GRID * (TC_COLS // 128)


def _tc_body(w_sref, t_ref, o_ref):
    acc = jnp.zeros((TC_COLS // 128, 128), jnp.float32)
    for d in range(EMBED):
        acc = acc + t_ref[d].reshape(TC_COLS // 128, 128) * w_sref[0, d]
    o_ref[...] = acc


_tc_matvec = pl.pallas_call(
    _tc_body,
    grid=(TC_GRID,),
    in_specs=[
        pl.BlockSpec(memory_space=pltpu.SMEM),
        pl.BlockSpec((EMBED, TC_COLS), lambda g: (0, g)),
    ],
    out_specs=pl.BlockSpec((TC_COLS // 128, 128), lambda g: (g, 0)),
    out_shape=jax.ShapeDtypeStruct((S_ROWS, 128), jnp.float32),
)


def _sc_body(x_hbm, s_hbm, params_hbm, out_hbm, idx_v, sup_v, sub_v,
             rows_v, out_v, par_v, sem):
    wid = lax.axis_index("s") * NUM_CORES + lax.axis_index("c")
    base = wid * BPW

    pltpu.sync_copy(params_hbm, par_v)
    pltpu.sync_copy(x_hbm.at[pl.ds(base, BPW)], idx_v)

    for k in range(BPW // LANES):
        sl = pl.ds(k * LANES, LANES)
        v = idx_v[sl]
        sup_v[sl] = lax.shift_right_logical(v, 7)
        sub_v[sl] = v & 127

    copies = [
        pltpu.async_copy(
            s_hbm.at[sup_v.at[pl.ds(j * CHUNK, CHUNK)]],
            rows_v.at[pl.ds(j * CHUNK, CHUNK)],
            sem.at[j],
        )
        for j in range(NCHUNKS)
    ]

    lane = lax.iota(jnp.int32, LANES)
    bias = par_v[pl.ds(0, LANES)][0]

    def block(t, carry):
        rvec = t * LANES + lane
        subvec = sub_v[pl.ds(t * LANES, LANES)]
        out_v[pl.ds(t * LANES, LANES)] = (
            plsc.load_gather(rows_v, [rvec, subvec]) + bias
        )
        return carry

    blocks_per_chunk = CHUNK // LANES
    for j in range(NCHUNKS):
        copies[j].wait()
        lax.fori_loop(j * blocks_per_chunk, (j + 1) * blocks_per_chunk,
                      block, 0)

    pltpu.sync_copy(out_v, out_hbm.at[pl.ds(base, BPW)])


@functools.partial(
    pl.kernel,
    out_type=jax.ShapeDtypeStruct((BATCH,), jnp.float32),
    mesh=plsc.VectorSubcoreMesh(core_axis_name="c", subcore_axis_name="s"),
    scratch_types=[
        pltpu.VMEM((BPW,), jnp.int32),
        pltpu.VMEM((BPW,), jnp.int32),
        pltpu.VMEM((BPW,), jnp.int32),
        pltpu.VMEM((BPW, 128), jnp.float32),
        pltpu.VMEM((BPW,), jnp.float32),
        pltpu.VMEM((LANES,), jnp.float32),
        pltpu.SemaphoreType.DMA((NCHUNKS,)),
    ],
    compiler_params=pltpu.CompilerParams(needs_layout_passes=False),
)
def _sc_gather(x_hbm, s_hbm, params_hbm, out_hbm, idx_v, sup_v, sub_v,
               rows_v, out_v, par_v, sem):
    _sc_body(x_hbm, s_hbm, params_hbm, out_hbm, idx_v, sup_v, sub_v,
             rows_v, out_v, par_v, sem)


def kernel(x, table, fc_w, fc_b):
    xi = x.astype(jnp.int32)
    tt = table.astype(jnp.float32).T
    w = fc_w.reshape(1, EMBED).astype(jnp.float32)
    s2d = _tc_matvec(w, tt)
    pbias = jnp.broadcast_to(fc_b.astype(jnp.float32).reshape(1), (LANES,))
    out = _sc_gather(xi, s2d, pbias)
    return out.reshape(x.shape[0], 1)

# --- scband reference (transcript-rebuilt; emitter-appended) ---
"""Pipeline reference for scband-code-embedding-model-25185688224300 (READ-ONLY COPY).

The authoritative reference and input builder live on the scoring server;
editing this copy changes nothing except your own understanding.
"""

import jax, jax.numpy as jnp
import numpy as np

VOCAB = 1000000
EMBED_DIM = 16
BATCH = 16384

def setup_inputs(seed: int = 0) -> dict:
    key = jax.random.key(seed)
    k1, k2, k3 = jax.random.split(key, 3)
    x = jax.random.randint(k1, (BATCH,), 0, VOCAB)
    table = jax.random.normal(k2, (VOCAB, EMBED_DIM), dtype=jnp.float32) * 0.02
    fc_w = jax.random.normal(k3, (1, EMBED_DIM), dtype=jnp.float32) * (1.0 / np.sqrt(EMBED_DIM))
    fc_b = jnp.zeros((1,), dtype=jnp.float32)
    return {"x": x, "table": table, "fc_w": fc_w, "fc_b": fc_b}

def reference(x, table, fc_w, fc_b):
    # x: int64[B] -> embedding lookup -> [B, D]
    emb = jnp.take(table, x, axis=0)
    # view(x.size(0), -1): flatten per-sample (no-op here since already [B, D])
    h = emb.reshape(emb.shape[0], -1)
    # fc: Linear(embedding_dim, 1)
    out = h @ fc_w.T + fc_b
    return out

if __name__ == "__main__":
    import jax
    _d = setup_inputs()
    print(jax.jit(kernel)(*tuple(_d.values())))

</pallas_src>

<mosaic_0001>
#map = affine_map<(d0, d1) -> (0)>
#map1 = affine_map<(d0, d1) -> (0, 0)>
module attributes {stable_mosaic.version = 14 : i64} {
  func.func @_sc_gather(%arg0: i32, %arg1: i32, %arg2: memref<16384xi32, #tpu.memory_space<hbm>>, %arg3: memref<8192x128xf32, #tpu.memory_space<hbm>>, %arg4: memref<16xf32, #tpu.memory_space<hbm>>, %arg5: memref<16384xf32, #tpu.memory_space<hbm>>, %arg6: memref<512xi32, #tpu.memory_space<vmem>>, %arg7: memref<512xi32, #tpu.memory_space<vmem>>, %arg8: memref<512xi32, #tpu.memory_space<vmem>>, %arg9: memref<512x128xf32, #tpu.memory_space<vmem>>, %arg10: memref<512xf32, #tpu.memory_space<vmem>>, %arg11: memref<16xf32, #tpu.memory_space<vmem>>, %arg12: memref<4x!tpu.dma_semaphore, #tpu.memory_space<semaphore_mem>>) attributes {dimension_semantics = [#tpu.dimension_semantics<core_parallel>, #tpu.dimension_semantics<subcore_parallel>], iteration_bounds = array<i64: 2, 16>, scalar_prefetch = 0 : i64, scratch_operands = 7 : i64, tpu.core_type = #tpu.core_type<sc_vector_subcore>, window_params = [{transform_indices = #map}, {transform_indices = #map1}, {transform_indices = #map}, {transform_indices = #map}]} {
    %mul3A = arith.constant 2 : i32
    %mul3A_0 = arith.muli %arg1, %mul3A : i32
    %add3A = arith.addi %mul3A_0, %arg0 : i32
    %mul3A_1 = arith.constant 512 : i32
    %mul3A_2 = arith.muli %add3A, %mul3A_1 : i32
    "tpu.region"() ({
      %run_scoped3A = tpu.sem_alloc : memref<!tpu.dma_semaphore, #tpu.memory_space<semaphore_mem>>
      tpu.enqueue_dma source(%arg4 : memref<16xf32, #tpu.memory_space<hbm>>) target(%arg11 : memref<16xf32, #tpu.memory_space<vmem>>) target_semaphore(%run_scoped3A : memref<!tpu.dma_semaphore, #tpu.memory_space<semaphore_mem>>)
      tpu.wait_dma2 semaphore(%run_scoped3A : memref<!tpu.dma_semaphore, #tpu.memory_space<semaphore_mem>>) src(%arg4 : memref<16xf32, #tpu.memory_space<hbm>>) dst(%arg11 : memref<16xf32, #tpu.memory_space<vmem>>)
      tpu.yield
    }) : () -> ()
    "tpu.region"() ({
      %run_scoped3A = tpu.sem_alloc : memref<!tpu.dma_semaphore, #tpu.memory_space<semaphore_mem>>
      %dma_start3A_494 = tpu.memref_slice %arg2[%mul3A_2] : memref<16384xi32, #tpu.memory_space<hbm>> -> memref<512xi32, #tpu.memory_space<hbm>>
      %dma_start3A_495 = tpu.memref_slice %arg2[%mul3A_2] : memref<16384xi32, #tpu.memory_space<hbm>> -> memref<512xi32, #tpu.memory_space<hbm>>
      tpu.enqueue_dma source(%dma_start3A_495 : memref<512xi32, #tpu.memory_space<hbm>>) target(%arg6 : memref<512xi32, #tpu.memory_space<vmem>>) target_semaphore(%run_scoped3A : memref<!tpu.dma_semaphore, #tpu.memory_space<semaphore_mem>>)
      %dma_wait3A_496 = tpu.memref_slice %arg2[%mul3A_2] : memref<16384xi32, #tpu.memory_space<hbm>> -> memref<512xi32, #tpu.memory_space<hbm>>
      %dma_wait3A_497 = tpu.memref_slice %arg2[%mul3A_2] : memref<16384xi32, #tpu.memory_space<hbm>> -> memref<512xi32, #tpu.memory_space<hbm>>
      tpu.wait_dma2 semaphore(%run_scoped3A : memref<!tpu.dma_semaphore, #tpu.memory_space<semaphore_mem>>) src(%dma_wait3A_497 : memref<512xi32, #tpu.memory_space<hbm>>) dst(%arg6 : memref<512xi32, #tpu.memory_space<vmem>>)
      tpu.yield
    }) : () -> ()
    %get3A = arith.constant 0 : index
    %get3A_3 = tpu.vector_load %arg6[%get3A] {strides = array<i32>} : memref<512xi32, #tpu.memory_space<vmem>>, vector<16xi32>,
    %shift_right_logical3A = arith.constant 7 : i32
    %shift_right_logical3A_4 = vector.broadcast %shift_right_logical3A : i32 to vector<16xi32>
    %shift_right_logical3A_5 = arith.shrui %get3A_3, %shift_right_logical3A_4 : vector<16xi32>
    %swap3A = arith.constant 0 : index
    %swap3A_6 = tpu.vector_load %arg7[%swap3A] {strides = array<i32>} : memref<512xi32, #tpu.memory_space<vmem>>, vector<16xi32>,
    tpu.vector_store %arg7[%swap3A], %shift_right_logical3A_5 {strides = array<i32>} : memref<512xi32, #tpu.memory_space<vmem>>, vector<16xi32>,
    %and3A = arith.constant 127 : i32
    %and3A_7 = vector.broadcast %and3A : i32 to vector<16xi32>
    %and3A_8 = arith.andi %get3A_3, %and3A_7 : vector<16xi32>
    %swap3A_9 = arith.constant 0 : index
    %swap3A_10 = tpu.vector_load %arg8[%swap3A_9] {strides = array<i32>} : memref<512xi32, #tpu.memory_space<vmem>>, vector<16xi32>,
    tpu.vector_store %arg8[%swap3A_9], %and3A_8 {strides = array<i32>} : memref<512xi32, #tpu.memory_space<vmem>>, vector<16xi32>,
    %get3A_11 = arith.constant 16 : index
    %get3A_12 = tpu.vector_load %arg6[%get3A_11] {strides = array<i32>} : memref<512xi32, #tpu.memory_space<vmem>>, vector<16xi32>,
    %shift_right_logical3A_13 = arith.constant 7 : i32
    %shift_right_logical3A_14 = vector.broadcast %shift_right_logical3A_13 : i32 to vector<16xi32>
    %shift_right_logical3A_15 = arith.shrui %get3A_12, %shift_right_logical3A_14 : vector<16xi32>
    %swap3A_16 = arith.constant 16 : index
    %swap3A_17 = tpu.vector_load %arg7[%swap3A_16] {strides = array<i32>} : memref<512xi32, #tpu.memory_space<vmem>>, vector<16xi32>,
    tpu.vector_store %arg7[%swap3A_16], %shift_right_logical3A_15 {strides = array<i32>} : memref<512xi32, #tpu.memory_space<vmem>>, vector<16xi32>,
    %and3A_18 = arith.constant 127 : i32
    %and3A_19 = vector.broadcast %and3A_18 : i32 to vector<16xi32>
    %and3A_20 = arith.andi %get3A_12, %and3A_19 : vector<16xi32>
    %swap3A_21 = arith.constant 16 : index
    %swap3A_22 = tpu.vector_load %arg8[%swap3A_21] {strides = array<i32>} : memref<512xi32, #tpu.memory_space<vmem>>, vector<16xi32>,
    tpu.vector_store %arg8[%swap3A_21], %and3A_20 {strides = array<i32>} : memref<512xi32, #tpu.memory_space<vmem>>, vector<16xi32>,
    %get3A_23 = arith.constant 32 : index
    %get3A_24 = tpu.vector_load %arg6[%get3A_23] {strides = array<i32>} : memref<512xi32, #tpu.memory_space<vmem>>, vector<16xi32>,
    %shift_right_logical3A_25 = arith.constant 7 : i32
    %shift_right_logical3A_26 = vector.broadcast %shift_right_logical3A_25 : i32 to vector<16xi32>
    %shift_right_logical3A_27 = arith.shrui %get3A_24, %shift_right_logical3A_26 : vector<16xi32>
    %swap3A_28 = arith.constant 32 : index
    %swap3A_29 = tpu.vector_load %arg7[%swap3A_28] {strides = array<i32>} : memref<512xi32, #tpu.memory_space<vmem>>, vector<16xi32>,
    tpu.vector_store %arg7[%swap3A_28], %shift_right_logical3A_27 {strides = array<i32>} : memref<512xi32, #tpu.memory_space<vmem>>, vector<16xi32>,
    %and3A_30 = arith.constant 127 : i32
    %and3A_31 = vector.broadcast %and3A_30 : i32 to vector<16xi32>
    %and3A_32 = arith.andi %get3A_24, %and3A_31 : vector<16xi32>
    %swap3A_33 = arith.constant 32 : index
    %swap3A_34 = tpu.vector_load %arg8[%swap3A_33] {strides = array<i32>} : memref<512xi32, #tpu.memory_space<vmem>>, vector<16xi32>,
    tpu.vector_store %arg8[%swap3A_33], %and3A_32 {strides = array<i32>} : memref<512xi32, #tpu.memory_space<vmem>>, vector<16xi32>,
    %get3A_35 = arith.constant 48 : index
    %get3A_36 = tpu.vector_load %arg6[%get3A_35] {strides = array<i32>} : memref<512xi32, #tpu.memory_space<vmem>>, vector<16xi32>,
    %shift_right_logical3A_37 = arith.constant 7 : i32
    %shift_right_logical3A_38 = vector.broadcast %shift_right_logical3A_37 : i32 to vector<16xi32>
    %shift_right_logical3A_39 = arith.shrui %get3A_36, %shift_right_logical3A_38 : vector<16xi32>
    %swap3A_40 = arith.constant 48 : index
    %swap3A_41 = tpu.vector_load %arg7[%swap3A_40] {strides = array<i32>} : memref<512xi32, #tpu.memory_space<vmem>>, vector<16xi32>,
    tpu.vector_store %arg7[%swap3A_40], %shift_right_logical3A_39 {strides = array<i32>} : memref<512xi32, #tpu.memory_space<vmem>>, vector<16xi32>,
    %and3A_42 = arith.constant 127 : i32
    %and3A_43 = vector.broadcast %and3A_42 : i32 to vector<16xi32>
    %and3A_44 = arith.andi %get3A_36, %and3A_43 : vector<16xi32>
    %swap3A_45 = arith.constant 48 : index
    %swap3A_46 = tpu.vector_load %arg8[%swap3A_45] {strides = array<i32>} : memref<512xi32, #tpu.memory_space<vmem>>, vector<16xi32>,
    tpu.vector_store %arg8[%swap3A_45], %and3A_44 {strides = array<i32>} : memref<512xi32, #tpu.memory_space<vmem>>, vector<16xi32>,
    %get3A_47 = arith.constant 64 : index
    %get3A_48 = tpu.vector_load %arg6[%get3A_47] {strides = array<i32>} : memref<512xi32, #tpu.memory_space<vmem>>, vector<16xi32>,
    %shift_right_logical3A_49 = arith.constant 7 : i32
    %shift_right_logical3A_50 = vector.broadcast %shift_right_logical3A_49 : i32 to vector<16xi32>
    %shift_right_logical3A_51 = arith.shrui %get3A_48, %shift_right_logical3A_50 : vector<16xi32>
    %swap3A_52 = arith.constant 64 : index
    %swap3A_53 = tpu.vector_load %arg7[%swap3A_52] {strides = array<i32>} : memref<512xi32, #tpu.memory_space<vmem>>, vector<16xi32>,
    tpu.vector_store %arg7[%swap3A_52], %shift_right_logical3A_51 {strides = array<i32>} : memref<512xi32, #tpu.memory_space<vmem>>, vector<16xi32>,
    %and3A_54 = arith.constant 127 : i32
    %and3A_55 = vector.broadcast %and3A_54 : i32 to vector<16xi32>
    %and3A_56 = arith.andi %get3A_48, %and3A_55 : vector<16xi32>
    %swap3A_57 = arith.constant 64 : index
    %swap3A_58 = tpu.vector_load %arg8[%swap3A_57] {strides = array<i32>} : memref<512xi32, #tpu.memory_space<vmem>>, vector<16xi32>,
    tpu.vector_store %arg8[%swap3A_57], %and3A_56 {strides = array<i32>} : memref<512xi32, #tpu.memory_space<vmem>>, vector<16xi32>,
    %get3A_59 = arith.constant 80 : index
    %get3A_60 = tpu.vector_load %arg6[%get3A_59] {strides = array<i32>} : memref<512xi32, #tpu.memory_space<vmem>>, vector<16xi32>,
    %shift_right_logical3A_61 = arith.constant 7 : i32
    %shift_right_logical3A_62 = vector.broadcast %shift_right_logical3A_61 : i32 to vector<16xi32>
    %shift_right_logical3A_63 = arith.shrui %get3A_60, %shift_right_logical3A_62 : vector<16xi32>
    %swap3A_64 = arith.constant 80 : index
    %swap3A_65 = tpu.vector_load %arg7[%swap3A_64] {strides = array<i32>} : memref<512xi32, #tpu.memory_space<vmem>>, vector<16xi32>,
    tpu.vector_store %arg7[%swap3A_64], %shift_right_logical3A_63 {strides = array<i32>} : memref<512xi32, #tpu.memory_space<vmem>>, vector<16xi32>,
    %and3A_66 = arith.constant 127 : i32
    %and3A_67 = vector.broadcast %and3A_66 : i32 to vector<16xi32>
    %and3A_68 = arith.andi %get3A_60, %and3A_67 : vector<16xi32>
    %swap3A_69 = arith.constant 80 : index
    %swap3A_70 = tpu.vector_load %arg8[%swap3A_69] {strides = array<i32>} : memref<512xi32, #tpu.memory_space<vmem>>, vector<16xi32>,
    tpu.vector_store %arg8[%swap3A_69], %and3A_68 {strides = array<i32>} : memref<512xi32, #tpu.memory_space<vmem>>, vector<16xi32>,
    %get3A_71 = arith.constant 96 : index
    %get3A_72 = tpu.vector_load %arg6[%get3A_71] {strides = array<i32>} : memref<512xi32, #tpu.memory_space<vmem>>, vector<16xi32>,
    %shift_right_logical3A_73 = arith.constant 7 : i32
    %shift_right_logical3A_74 = vector.broadcast %shift_right_logical3A_73 : i32 to vector<16xi32>
    %shift_right_logical3A_75 = arith.shrui %get3A_72, %shift_right_logical3A_74 : vector<16xi32>
    %swap3A_76 = arith.constant 96 : index
    %swap3A_77 = tpu.vector_load %arg7[%swap3A_76] {strides = array<i32>} : memref<512xi32, #tpu.memory_space<vmem>>, vector<16xi32>,
    tpu.vector_store %arg7[%swap3A_76], %shift_right_logical3A_75 {strides = array<i32>} : memref<512xi32, #tpu.memory_space<vmem>>, vector<16xi32>,
    %and3A_78 = arith.constant 127 : i32
    %and3A_79 = vector.broadcast %and3A_78 : i32 to vector<16xi32>
    %and3A_80 = arith.andi %get3A_72, %and3A_79 : vector<16xi32>
    %swap3A_81 = arith.constant 96 : index
    %swap3A_82 = tpu.vector_load %arg8[%swap3A_81] {strides = array<i32>} : memref<512xi32, #tpu.memory_space<vmem>>, vector<16xi32>,
    tpu.vector_store %arg8[%swap3A_81], %and3A_80 {strides = array<i32>} : memref<512xi32, #tpu.memory_space<vmem>>, vector<16xi32>,
    %get3A_83 = arith.constant 112 : index
    %get3A_84 = tpu.vector_load %arg6[%get3A_83] {strides = array<i32>} : memref<512xi32, #tpu.memory_space<vmem>>, vector<16xi32>,
    %shift_right_logical3A_85 = arith.constant 7 : i32
    %shift_right_logical3A_86 = vector.broadcast %shift_right_logical3A_85 : i32 to vector<16xi32>
    %shift_right_logical3A_87 = arith.shrui %get3A_84, %shift_right_logical3A_86 : vector<16xi32>
    %swap3A_88 = arith.constant 112 : index
    %swap3A_89 = tpu.vector_load %arg7[%swap3A_88] {strides = array<i32>} : memref<512xi32, #tpu.memory_space<vmem>>, vector<16xi32>,
    tpu.vector_store %arg7[%swap3A_88], %shift_right_logical3A_87 {strides = array<i32>} : memref<512xi32, #tpu.memory_space<vmem>>, vector<16xi32>,
    %and3A_90 = arith.constant 127 : i32
    %and3A_91 = vector.broadcast %and3A_90 : i32 to vector<16xi32>
    %and3A_92 = arith.andi %get3A_84, %and3A_91 : vector<16xi32>
    %swap3A_93 = arith.constant 112 : index
    %swap3A_94 = tpu.vector_load %arg8[%swap3A_93] {strides = array<i32>} : memref<512xi32, #tpu.memory_space<vmem>>, vector<16xi32>,
    tpu.vector_store %arg8[%swap3A_93], %and3A_92 {strides = array<i32>} : memref<512xi32, #tpu.memory_space<vmem>>, vector<16xi32>,
    %get3A_95 = arith.constant 128 : index
    %get3A_96 = tpu.vector_load %arg6[%get3A_95] {strides = array<i32>} : memref<512xi32, #tpu.memory_space<vmem>>, vector<16xi32>,
    %shift_right_logical3A_97 = arith.constant 7 : i32
    %shift_right_logical3A_98 = vector.broadcast %shift_right_logical3A_97 : i32 to vector<16xi32>
    %shift_right_logical3A_99 = arith.shrui %get3A_96, %shift_right_logical3A_98 : vector<16xi32>
    %swap3A_100 = arith.constant 128 : index
    %swap3A_101 = tpu.vector_load %arg7[%swap3A_100] {strides = array<i32>} : memref<512xi32, #tpu.memory_space<vmem>>, vector<16xi32>,
    tpu.vector_store %arg7[%swap3A_100], %shift_right_logical3A_99 {strides = array<i32>} : memref<512xi32, #tpu.memory_space<vmem>>, vector<16xi32>,
    %and3A_102 = arith.constant 127 : i32
    %and3A_103 = vector.broadcast %and3A_102 : i32 to vector<16xi32>
    %and3A_104 = arith.andi %get3A_96, %and3A_103 : vector<16xi32>
    %swap3A_105 = arith.constant 128 : index
    %swap3A_106 = tpu.vector_load %arg8[%swap3A_105] {strides = array<i32>} : memref<512xi32, #tpu.memory_space<vmem>>, vector<16xi32>,
    tpu.vector_store %arg8[%swap3A_105], %and3A_104 {strides = array<i32>} : memref<512xi32, #tpu.memory_space<vmem>>, vector<16xi32>,
    %get3A_107 = arith.constant 144 : index
    %get3A_108 = tpu.vector_load %arg6[%get3A_107] {strides = array<i32>} : memref<512xi32, #tpu.memory_space<vmem>>, vector<16xi32>,
    %shift_right_logical3A_109 = arith.constant 7 : i32
    %shift_right_logical3A_110 = vector.broadcast %shift_right_logical3A_109 : i32 to vector<16xi32>
    %shift_right_logical3A_111 = arith.shrui %get3A_108, %shift_right_logical3A_110 : vector<16xi32>
    %swap3A_112 = arith.constant 144 : index
    %swap3A_113 = tpu.vector_load %arg7[%swap3A_112] {strides = array<i32>} : memref<512xi32, #tpu.memory_space<vmem>>, vector<16xi32>,
    tpu.vector_store %arg7[%swap3A_112], %shift_right_logical3A_111 {strides = array<i32>} : memref<512xi32, #tpu.memory_space<vmem>>, vector<16xi32>,
    %and3A_114 = arith.constant 127 : i32
    %and3A_115 = vector.broadcast %and3A_114 : i32 to vector<16xi32>
    %and3A_116 = arith.andi %get3A_108, %and3A_115 : vector<16xi32>
    %swap3A_117 = arith.constant 144 : index
    %swap3A_118 = tpu.vector_load %arg8[%swap3A_117] {strides = array<i32>} : memref<512xi32, #tpu.memory_space<vmem>>, vector<16xi32>,
    tpu.vector_store %arg8[%swap3A_117], %and3A_116 {strides = array<i32>} : memref<512xi32, #tpu.memory_space<vmem>>, vector<16xi32>,
    %get3A_119 = arith.constant 160 : index
    %get3A_120 = tpu.vector_load %arg6[%get3A_119] {strides = array<i32>} : memref<512xi32, #tpu.memory_space<vmem>>, vector<16xi32>,
    %shift_right_logical3A_121 = arith.constant 7 : i32
    %shift_right_logical3A_122 = vector.broadcast %shift_right_logical3A_121 : i32 to vector<16xi32>
    %shift_right_logical3A_123 = arith.shrui %get3A_120, %shift_right_logical3A_122 : vector<16xi32>
    %swap3A_124 = arith.constant 160 : index
    %swap3A_125 = tpu.vector_load %arg7[%swap3A_124] {strides = array<i32>} : memref<512xi32, #tpu.memory_space<vmem>>, vector<16xi32>,
    tpu.vector_store %arg7[%swap3A_124], %shift_right_logical3A_123 {strides = array<i32>} : memref<512xi32, #tpu.memory_space<vmem>>, vector<16xi32>,
    %and3A_126 = arith.constant 127 : i32
    %and3A_127 = vector.broadcast %and3A_126 : i32 to vector<16xi32>
    %and3A_128 = arith.andi %get3A_120, %and3A_127 : vector<16xi32>
    %swap3A_129 = arith.constant 160 : index
    %swap3A_130 = tpu.vector_load %arg8[%swap3A_129] {strides = array<i32>} : memref<512xi32, #tpu.memory_space<vmem>>, vector<16xi32>,
    tpu.vector_store %arg8[%swap3A_129], %and3A_128 {strides = array<i32>} : memref<512xi32, #tpu.memory_space<vmem>>, vector<16xi32>,
    %get3A_131 = arith.constant 176 : index
    %get3A_132 = tpu.vector_load %arg6[%get3A_131] {strides = array<i32>} : memref<512xi32, #tpu.memory_space<vmem>>, vector<16xi32>,
    %shift_right_logical3A_133 = arith.constant 7 : i32
    %shift_right_logical3A_134 = vector.broadcast %shift_right_logical3A_133 : i32 to vector<16xi32>
    %shift_right_logical3A_135 = arith.shrui %get3A_132, %shift_right_logical3A_134 : vector<16xi32>
    %swap3A_136 = arith.constant 176 : index
    %swap3A_137 = tpu.vector_load %arg7[%swap3A_136] {strides = array<i32>} : memref<512xi32, #tpu.memory_space<vmem>>, vector<16xi32>,
    tpu.vector_store %arg7[%swap3A_136], %shift_right_logical3A_135 {strides = array<i32>} : memref<512xi32, #tpu.memory_space<vmem>>, vector<16xi32>,
    %and3A_138 = arith.constant 127 : i32
    %and3A_139 = vector.broadcast %and3A_138 : i32 to vector<16xi32>
    %and3A_140 = arith.andi %get3A_132, %and3A_139 : vector<16xi32>
    %swap3A_141 = arith.constant 176 : index
    %swap3A_142 = tpu.vector_load %arg8[%swap3A_141] {strides = array<i32>} : memref<512xi32, #tpu.memory_space<vmem>>, vector<16xi32>,
    tpu.vector_store %arg8[%swap3A_141], %and3A_140 {strides = array<i32>} : memref<512xi32, #tpu.memory_space<vmem>>, vector<16xi32>,
    %get3A_143 = arith.constant 192 : index
    %get3A_144 = tpu.vector_load %arg6[%get3A_143] {strides = array<i32>} : memref<512xi32, #tpu.memory_space<vmem>>, vector<16xi32>,
    %shift_right_logical3A_145 = arith.constant 7 : i32
    %shift_right_logical3A_146 = vector.broadcast %shift_right_logical3A_145 : i32 to vector<16xi32>
    %shift_right_logical3A_147 = arith.shrui %get3A_144, %shift_right_logical3A_146 : vector<16xi32>
    %swap3A_148 = arith.constant 192 : index
    %swap3A_149 = tpu.vector_load %arg7[%swap3A_148] {strides = array<i32>} : memref<512xi32, #tpu.memory_space<vmem>>, vector<16xi32>,
    tpu.vector_store %arg7[%swap3A_148], %shift_right_logical3A_147 {strides = array<i32>} : memref<512xi32, #tpu.memory_space<vmem>>, vector<16xi32>,
    %and3A_150 = arith.constant 127 : i32
    %and3A_151 = vector.broadcast %and3A_150 : i32 to vector<16xi32>
    %and3A_152 = arith.andi %get3A_144, %and3A_151 : vector<16xi32>
    %swap3A_153 = arith.constant 192 : index
    %swap3A_154 = tpu.vector_load %arg8[%swap3A_153] {strides = array<i32>} : memref<512xi32, #tpu.memory_space<vmem>>, vector<16xi32>,
    tpu.vector_store %arg8[%swap3A_153], %and3A_152 {strides = array<i32>} : memref<512xi32, #tpu.memory_space<vmem>>, vector<16xi32>,
    %get3A_155 = arith.constant 208 : index
    %get3A_156 = tpu.vector_load %arg6[%get3A_155] {strides = array<i32>} : memref<512xi32, #tpu.memory_space<vmem>>, vector<16xi32>,
    %shift_right_logical3A_157 = arith.constant 7 : i32
    %shift_right_logical3A_158 = vector.broadcast %shift_right_logical3A_157 : i32 to vector<16xi32>
    %shift_right_logical3A_159 = arith.shrui %get3A_156, %shift_right_logical3A_158 : vector<16xi32>
    %swap3A_160 = arith.constant 208 : index
    %swap3A_161 = tpu.vector_load %arg7[%swap3A_160] {strides = array<i32>} : memref<512xi32, #tpu.memory_space<vmem>>, vector<16xi32>,
    tpu.vector_store %arg7[%swap3A_160], %shift_right_logical3A_159 {strides = array<i32>} : memref<512xi32, #tpu.memory_space<vmem>>, vector<16xi32>,
    %and3A_162 = arith.constant 127 : i32
    %and3A_163 = vector.broadcast %and3A_162 : i32 to vector<16xi32>
    %and3A_164 = arith.andi %get3A_156, %and3A_163 : vector<16xi32>
    %swap3A_165 = arith.constant 208 : index
    %swap3A_166 = tpu.vector_load %arg8[%swap3A_165] {strides = array<i32>} : memref<512xi32, #tpu.memory_space<vmem>>, vector<16xi32>,
    tpu.vector_store %arg8[%swap3A_165], %and3A_164 {strides = array<i32>} : memref<512xi32, #tpu.memory_space<vmem>>, vector<16xi32>,
    %get3A_167 = arith.constant 224 : index
    %get3A_168 = tpu.vector_load %arg6[%get3A_167] {strides = array<i32>} : memref<512xi32, #tpu.memory_space<vmem>>, vector<16xi32>,
    %shift_right_logical3A_169 = arith.constant 7 : i32
    %shift_right_logical3A_170 = vector.broadcast %shift_right_logical3A_169 : i32 to vector<16xi32>
    %shift_right_logical3A_171 = arith.shrui %get3A_168, %shift_right_logical3A_170 : vector<16xi32>
    %swap3A_172 = arith.constant 224 : index
    %swap3A_173 = tpu.vector_load %arg7[%swap3A_172] {strides = array<i32>} : memref<512xi32, #tpu.memory_space<vmem>>, vector<16xi32>,
    tpu.vector_store %arg7[%swap3A_172], %shift_right_logical3A_171 {strides = array<i32>} : memref<512xi32, #tpu.memory_space<vmem>>, vector<16xi32>,
    %and3A_174 = arith.constant 127 : i32
    %and3A_175 = vector.broadcast %and3A_174 : i32 to vector<16xi32>
    %and3A_176 = arith.andi %get3A_168, %and3A_175 : vector<16xi32>
    %swap3A_177 = arith.constant 224 : index
    %swap3A_178 = tpu.vector_load %arg8[%swap3A_177] {strides = array<i32>} : memref<512xi32, #tpu.memory_space<vmem>>, vector<16xi32>,
    tpu.vector_store %arg8[%swap3A_177], %and3A_176 {strides = array<i32>} : memref<512xi32, #tpu.memory_space<vmem>>, vector<16xi32>,
    %get3A_179 = arith.constant 240 : index
    %get3A_180 = tpu.vector_load %arg6[%get3A_179] {strides = array<i32>} : memref<512xi32, #tpu.memory_space<vmem>>, vector<16xi32>,
    %shift_right_logical3A_181 = arith.constant 7 : i32
    %shift_right_logical3A_182 = vector.broadcast %shift_right_logical3A_181 : i32 to vector<16xi32>
    %shift_right_logical3A_183 = arith.shrui %get3A_180, %shift_right_logical3A_182 : vector<16xi32>
    %swap3A_184 = arith.constant 240 : index
    %swap3A_185 = tpu.vector_load %arg7[%swap3A_184] {strides = array<i32>} : memref<512xi32, #tpu.memory_space<vmem>>, vector<16xi32>,
    tpu.vector_store %arg7[%swap3A_184], %shift_right_logical3A_183 {strides = array<i32>} : memref<512xi32, #tpu.memory_space<vmem>>, vector<16xi32>,
    %and3A_186 = arith.constant 127 : i32
    %and3A_187 = vector.broadcast %and3A_186 : i32 to vector<16xi32>
    %and3A_188 = arith.andi %get3A_180, %and3A_187 : vector<16xi32>
    %swap3A_189 = arith.constant 240 : index
    %swap3A_190 = tpu.vector_load %arg8[%swap3A_189] {strides = array<i32>} : memref<512xi32, #tpu.memory_space<vmem>>, vector<16xi32>,
    tpu.vector_store %arg8[%swap3A_189], %and3A_188 {strides = array<i32>} : memref<512xi32, #tpu.memory_space<vmem>>, vector<16xi32>,
    %get3A_191 = arith.constant 256 : index
    %get3A_192 = tpu.vector_load %arg6[%get3A_191] {strides = array<i32>} : memref<512xi32, #tpu.memory_space<vmem>>, vector<16xi32>,
    %shift_right_logical3A_193 = arith.constant 7 : i32
    %shift_right_logical3A_194 = vector.broadcast %shift_right_logical3A_193 : i32 to vector<16xi32>
    %shift_right_logical3A_195 = arith.shrui %get3A_192, %shift_right_logical3A_194 : vector<16xi32>
    %swap3A_196 = arith.constant 256 : index
    %swap3A_197 = tpu.vector_load %arg7[%swap3A_196] {strides = array<i32>} : memref<512xi32, #tpu.memory_space<vmem>>, vector<16xi32>,
    tpu.vector_store %arg7[%swap3A_196], %shift_right_logical3A_195 {strides = array<i32>} : memref<512xi32, #tpu.memory_space<vmem>>, vector<16xi32>,
    %and3A_198 = arith.constant 127 : i32
    %and3A_199 = vector.broadcast %and3A_198 : i32 to vector<16xi32>
    %and3A_200 = arith.andi %get3A_192, %and3A_199 : vector<16xi32>
    %swap3A_201 = arith.constant 256 : index
    %swap3A_202 = tpu.vector_load %arg8[%swap3A_201] {strides = array<i32>} : memref<512xi32, #tpu.memory_space<vmem>>, vector<16xi32>,
    tpu.vector_store %arg8[%swap3A_201], %and3A_200 {strides = array<i32>} : memref<512xi32, #tpu.memory_space<vmem>>, vector<16xi32>,
    %get3A_203 = arith.constant 272 : index
    %get3A_204 = tpu.vector_load %arg6[%get3A_203] {strides = array<i32>} : memref<512xi32, #tpu.memory_space<vmem>>, vector<16xi32>,
    %shift_right_logical3A_205 = arith.constant 7 : i32
    %shift_right_logical3A_206 = vector.broadcast %shift_right_logical3A_205 : i32 to vector<16xi32>
    %shift_right_logical3A_207 = arith.shrui %get3A_204, %shift_right_logical3A_206 : vector<16xi32>
    %swap3A_208 = arith.constant 272 : index
    %swap3A_209 = tpu.vector_load %arg7[%swap3A_208] {strides = array<i32>} : memref<512xi32, #tpu.memory_space<vmem>>, vector<16xi32>,
    tpu.vector_store %arg7[%swap3A_208], %shift_right_logical3A_207 {strides = array<i32>} : memref<512xi32, #tpu.memory_space<vmem>>, vector<16xi32>,
    %and3A_210 = arith.constant 127 : i32
    %and3A_211 = vector.broadcast %and3A_210 : i32 to vector<16xi32>
    %and3A_212 = arith.andi %get3A_204, %and3A_211 : vector<16xi32>
    %swap3A_213 = arith.constant 272 : index
    %swap3A_214 = tpu.vector_load %arg8[%swap3A_213] {strides = array<i32>} : memref<512xi32, #tpu.memory_space<vmem>>, vector<16xi32>,
    tpu.vector_store %arg8[%swap3A_213], %and3A_212 {strides = array<i32>} : memref<512xi32, #tpu.memory_space<vmem>>, vector<16xi32>,
    %get3A_215 = arith.constant 288 : index
    %get3A_216 = tpu.vector_load %arg6[%get3A_215] {strides = array<i32>} : memref<512xi32, #tpu.memory_space<vmem>>, vector<16xi32>,
    %shift_right_logical3A_217 = arith.constant 7 : i32
    %shift_right_logical3A_218 = vector.broadcast %shift_right_logical3A_217 : i32 to vector<16xi32>
    %shift_right_logical3A_219 = arith.shrui %get3A_216, %shift_right_logical3A_218 : vector<16xi32>
    %swap3A_220 = arith.constant 288 : index
    %swap3A_221 = tpu.vector_load %arg7[%swap3A_220] {strides = array<i32>} : memref<512xi32, #tpu.memory_space<vmem>>, vector<16xi32>,
    tpu.vector_store %arg7[%swap3A_220], %shift_right_logical3A_219 {strides = array<i32>} : memref<512xi32, #tpu.memory_space<vmem>>, vector<16xi32>,
    %and3A_222 = arith.constant 127 : i32
    %and3A_223 = vector.broadcast %and3A_222 : i32 to vector<16xi32>
    %and3A_224 = arith.andi %get3A_216, %and3A_223 : vector<16xi32>
    %swap3A_225 = arith.constant 288 : index
    %swap3A_226 = tpu.vector_load %arg8[%swap3A_225] {strides = array<i32>} : memref<512xi32, #tpu.memory_space<vmem>>, vector<16xi32>,
    tpu.vector_store %arg8[%swap3A_225], %and3A_224 {strides = array<i32>} : memref<512xi32, #tpu.memory_space<vmem>>, vector<16xi32>,
    %get3A_227 = arith.constant 304 : index
    %get3A_228 = tpu.vector_load %arg6[%get3A_227] {strides = array<i32>} : memref<512xi32, #tpu.memory_space<vmem>>, vector<16xi32>,
    %shift_right_logical3A_229 = arith.constant 7 : i32
    %shift_right_logical3A_230 = vector.broadcast %shift_right_logical3A_229 : i32 to vector<16xi32>
    %shift_right_logical3A_231 = arith.shrui %get3A_228, %shift_right_logical3A_230 : vector<16xi32>
    %swap3A_232 = arith.constant 304 : index
    %swap3A_233 = tpu.vector_load %arg7[%swap3A_232] {strides = array<i32>} : memref<512xi32, #tpu.memory_space<vmem>>, vector<16xi32>,
    tpu.vector_store %arg7[%swap3A_232], %shift_right_logical3A_231 {strides = array<i32>} : memref<512xi32, #tpu.memory_space<vmem>>, vector<16xi32>,
    %and3A_234 = arith.constant 127 : i32
    %and3A_235 = vector.broadcast %and3A_234 : i32 to vector<16xi32>
    %and3A_236 = arith.andi %get3A_228, %and3A_235 : vector<16xi32>
    %swap3A_237 = arith.constant 304 : index
    %swap3A_238 = tpu.vector_load %arg8[%swap3A_237] {strides = array<i32>} : memref<512xi32, #tpu.memory_space<vmem>>, vector<16xi32>,
    tpu.vector_store %arg8[%swap3A_237], %and3A_236 {strides = array<i32>} : memref<512xi32, #tpu.memory_space<vmem>>, vector<16xi32>,
    %get3A_239 = arith.constant 320 : index
    %get3A_240 = tpu.vector_load %arg6[%get3A_239] {strides = array<i32>} : memref<512xi32, #tpu.memory_space<vmem>>, vector<16xi32>,
    %shift_right_logical3A_241 = arith.constant 7 : i32
    %shift_right_logical3A_242 = vector.broadcast %shift_right_logical3A_241 : i32 to vector<16xi32>
    %shift_right_logical3A_243 = arith.shrui %get3A_240, %shift_right_logical3A_242 : vector<16xi32>
    %swap3A_244 = arith.constant 320 : index
    %swap3A_245 = tpu.vector_load %arg7[%swap3A_244] {strides = array<i32>} : memref<512xi32, #tpu.memory_space<vmem>>, vector<16xi32>,
    tpu.vector_store %arg7[%swap3A_244], %shift_right_logical3A_243 {strides = array<i32>} : memref<512xi32, #tpu.memory_space<vmem>>, vector<16xi32>,
    %and3A_246 = arith.constant 127 : i32
    %and3A_247 = vector.broadcast %and3A_246 : i32 to vector<16xi32>
    %and3A_248 = arith.andi %get3A_240, %and3A_247 : vector<16xi32>
    %swap3A_249 = arith.constant 320 : index
    %swap3A_250 = tpu.vector_load %arg8[%swap3A_249] {strides = array<i32>} : memref<512xi32, #tpu.memory_space<vmem>>, vector<16xi32>,
    tpu.vector_store %arg8[%swap3A_249], %and3A_248 {strides = array<i32>} : memref<512xi32, #tpu.memory_space<vmem>>, vector<16xi32>,
    %get3A_251 = arith.constant 336 : index
    %get3A_252 = tpu.vector_load %arg6[%get3A_251] {strides = array<i32>} : memref<512xi32, #tpu.memory_space<vmem>>, vector<16xi32>,
    %shift_right_logical3A_253 = arith.constant 7 : i32
    %shift_right_logical3A_254 = vector.broadcast %shift_right_logical3A_253 : i32 to vector<16xi32>
    %shift_right_logical3A_255 = arith.shrui %get3A_252, %shift_right_logical3A_254 : vector<16xi32>
    %swap3A_256 = arith.constant 336 : index
    %swap3A_257 = tpu.vector_load %arg7[%swap3A_256] {strides = array<i32>} : memref<512xi32, #tpu.memory_space<vmem>>, vector<16xi32>,
    tpu.vector_store %arg7[%swap3A_256], %shift_right_logical3A_255 {strides = array<i32>} : memref<512xi32, #tpu.memory_space<vmem>>, vector<16xi32>,
    %and3A_258 = arith.constant 127 : i32
    %and3A_259 = vector.broadcast %and3A_258 : i32 to vector<16xi32>
    %and3A_260 = arith.andi %get3A_252, %and3A_259 : vector<16xi32>
    %swap3A_261 = arith.constant 336 : index
    %swap3A_262 = tpu.vector_load %arg8[%swap3A_261] {strides = array<i32>} : memref<512xi32, #tpu.memory_space<vmem>>, vector<16xi32>,
    tpu.vector_store %arg8[%swap3A_261], %and3A_260 {strides = array<i32>} : memref<512xi32, #tpu.memory_space<vmem>>, vector<16xi32>,
    %get3A_263 = arith.constant 352 : index
    %get3A_264 = tpu.vector_load %arg6[%get3A_263] {strides = array<i32>} : memref<512xi32, #tpu.memory_space<vmem>>, vector<16xi32>,
    %shift_right_logical3A_265 = arith.constant 7 : i32
    %shift_right_logical3A_266 = vector.broadcast %shift_right_logical3A_265 : i32 to vector<16xi32>
    %shift_right_logical3A_267 = arith.shrui %get3A_264, %shift_right_logical3A_266 : vector<16xi32>
    %swap3A_268 = arith.constant 352 : index
    %swap3A_269 = tpu.vector_load %arg7[%swap3A_268] {strides = array<i32>} : memref<512xi32, #tpu.memory_space<vmem>>, vector<16xi32>,
    tpu.vector_store %arg7[%swap3A_268], %shift_right_logical3A_267 {strides = array<i32>} : memref<512xi32, #tpu.memory_space<vmem>>, vector<16xi32>,
    %and3A_270 = arith.constant 127 : i32
    %and3A_271 = vector.broadcast %and3A_270 : i32 to vector<16xi32>
    %and3A_272 = arith.andi %get3A_264, %and3A_271 : vector<16xi32>
    %swap3A_273 = arith.constant 352 : index
    %swap3A_274 = tpu.vector_load %arg8[%swap3A_273] {strides = array<i32>} : memref<512xi32, #tpu.memory_space<vmem>>, vector<16xi32>,
    tpu.vector_store %arg8[%swap3A_273], %and3A_272 {strides = array<i32>} : memref<512xi32, #tpu.memory_space<vmem>>, vector<16xi32>,
    %get3A_275 = arith.constant 368 : index
    %get3A_276 = tpu.vector_load %arg6[%get3A_275] {strides = array<i32>} : memref<512xi32, #tpu.memory_space<vmem>>, vector<16xi32>,
    %shift_right_logical3A_277 = arith.constant 7 : i32
    %shift_right_logical3A_278 = vector.broadcast %shift_right_logical3A_277 : i32 to vector<16xi32>
    %shift_right_logical3A_279 = arith.shrui %get3A_276, %shift_right_logical3A_278 : vector<16xi32>
    %swap3A_280 = arith.constant 368 : index
    %swap3A_281 = tpu.vector_load %arg7[%swap3A_280] {strides = array<i32>} : memref<512xi32, #tpu.memory_space<vmem>>, vector<16xi32>,
    tpu.vector_store %arg7[%swap3A_280], %shift_right_logical3A_279 {strides = array<i32>} : memref<512xi32, #tpu.memory_space<vmem>>, vector<16xi32>,
    %and3A_282 = arith.constant 127 : i32
    %and3A_283 = vector.broadcast %and3A_282 : i32 to vector<16xi32>
    %and3A_284 = arith.andi %get3A_276, %and3A_283 : vector<16xi32>
    %swap3A_285 = arith.constant 368 : index
    %swap3A_286 = tpu.vector_load %arg8[%swap3A_285] {strides = array<i32>} : memref<512xi32, #tpu.memory_space<vmem>>, vector<16xi32>,
    tpu.vector_store %arg8[%swap3A_285], %and3A_284 {strides = array<i32>} : memref<512xi32, #tpu.memory_space<vmem>>, vector<16xi32>,
    %get3A_287 = arith.constant 384 : index
    %get3A_288 = tpu.vector_load %arg6[%get3A_287] {strides = array<i32>} : memref<512xi32, #tpu.memory_space<vmem>>, vector<16xi32>,
    %shift_right_logical3A_289 = arith.constant 7 : i32
    %shift_right_logical3A_290 = vector.broadcast %shift_right_logical3A_289 : i32 to vector<16xi32>
    %shift_right_logical3A_291 = arith.shrui %get3A_288, %shift_right_logical3A_290 : vector<16xi32>
    %swap3A_292 = arith.constant 384 : index
    %swap3A_293 = tpu.vector_load %arg7[%swap3A_292] {strides = array<i32>} : memref<512xi32, #tpu.memory_space<vmem>>, vector<16xi32>,
    tpu.vector_store %arg7[%swap3A_292], %shift_right_logical3A_291 {strides = array<i32>} : memref<512xi32, #tpu.memory_space<vmem>>, vector<16xi32>,
    %and3A_294 = arith.constant 127 : i32
    %and3A_295 = vector.broadcast %and3A_294 : i32 to vector<16xi32>
    %and3A_296 = arith.andi %get3A_288, %and3A_295 : vector<16xi32>
    %swap3A_297 = arith.constant 384 : index
    %swap3A_298 = tpu.vector_load %arg8[%swap3A_297] {strides = array<i32>} : memref<512xi32, #tpu.memory_space<vmem>>, vector<16xi32>,
    tpu.vector_store %arg8[%swap3A_297], %and3A_296 {strides = array<i32>} : memref<512xi32, #tpu.memory_space<vmem>>, vector<16xi32>,
    %get3A_299 = arith.constant 400 : index
    %get3A_300 = tpu.vector_load %arg6[%get3A_299] {strides = array<i32>} : memref<512xi32, #tpu.memory_space<vmem>>, vector<16xi32>,
    %shift_right_logical3A_301 = arith.constant 7 : i32
    %shift_right_logical3A_302 = vector.broadcast %shift_right_logical3A_301 : i32 to vector<16xi32>
    %shift_right_logical3A_303 = arith.shrui %get3A_300, %shift_right_logical3A_302 : vector<16xi32>
    %swap3A_304 = arith.constant 400 : index
    %swap3A_305 = tpu.vector_load %arg7[%swap3A_304] {strides = array<i32>} : memref<512xi32, #tpu.memory_space<vmem>>, vector<16xi32>,
    tpu.vector_store %arg7[%swap3A_304], %shift_right_logical3A_303 {strides = array<i32>} : memref<512xi32, #tpu.memory_space<vmem>>, vector<16xi32>,
    %and3A_306 = arith.constant 127 : i32
    %and3A_307 = vector.broadcast %and3A_306 : i32 to vector<16xi32>
    %and3A_308 = arith.andi %get3A_300, %and3A_307 : vector<16xi32>
    %swap3A_309 = arith.constant 400 : index
    %swap3A_310 = tpu.vector_load %arg8[%swap3A_309] {strides = array<i32>} : memref<512xi32, #tpu.memory_space<vmem>>, vector<16xi32>,
    tpu.vector_store %arg8[%swap3A_309], %and3A_308 {strides = array<i32>} : memref<512xi32, #tpu.memory_space<vmem>>, vector<16xi32>,
    %get3A_311 = arith.constant 416 : index
    %get3A_312 = tpu.vector_load %arg6[%get3A_311] {strides = array<i32>} : memref<512xi32, #tpu.memory_space<vmem>>, vector<16xi32>,
    %shift_right_logical3A_313 = arith.constant 7 : i32
    %shift_right_logical3A_314 = vector.broadcast %shift_right_logical3A_313 : i32 to vector<16xi32>
    %shift_right_logical3A_315 = arith.shrui %get3A_312, %shift_right_logical3A_314 : vector<16xi32>
    %swap3A_316 = arith.constant 416 : index
    %swap3A_317 = tpu.vector_load %arg7[%swap3A_316] {strides = array<i32>} : memref<512xi32, #tpu.memory_space<vmem>>, vector<16xi32>,
    tpu.vector_store %arg7[%swap3A_316], %shift_right_logical3A_315 {strides = array<i32>} : memref<512xi32, #tpu.memory_space<vmem>>, vector<16xi32>,
    %and3A_318 = arith.constant 127 : i32
    %and3A_319 = vector.broadcast %and3A_318 : i32 to vector<16xi32>
    %and3A_320 = arith.andi %get3A_312, %and3A_319 : vector<16xi32>
    %swap3A_321 = arith.constant 416 : index
    %swap3A_322 = tpu.vector_load %arg8[%swap3A_321] {strides = array<i32>} : memref<512xi32, #tpu.memory_space<vmem>>, vector<16xi32>,
    tpu.vector_store %arg8[%swap3A_321], %and3A_320 {strides = array<i32>} : memref<512xi32, #tpu.memory_space<vmem>>, vector<16xi32>,
    %get3A_323 = arith.constant 432 : index
    %get3A_324 = tpu.vector_load %arg6[%get3A_323] {strides = array<i32>} : memref<512xi32, #tpu.memory_space<vmem>>, vector<16xi32>,
    %shift_right_logical3A_325 = arith.constant 7 : i32
    %shift_right_logical3A_326 = vector.broadcast %shift_right_logical3A_325 : i32 to vector<16xi32>
    %shift_right_logical3A_327 = arith.shrui %get3A_324, %shift_right_logical3A_326 : vector<16xi32>
    %swap3A_328 = arith.constant 432 : index
    %swap3A_329 = tpu.vector_load %arg7[%swap3A_328] {strides = array<i32>} : memref<512xi32, #tpu.memory_space<vmem>>, vector<16xi32>,
    tpu.vector_store %arg7[%swap3A_328], %shift_right_logical3A_327 {strides = array<i32>} : memref<512xi32, #tpu.memory_space<vmem>>, vector<16xi32>,
    %and3A_330 = arith.constant 127 : i32
    %and3A_331 = vector.broadcast %and3A_330 : i32 to vector<16xi32>
    %and3A_332 = arith.andi %get3A_324, %and3A_331 : vector<16xi32>
    %swap3A_333 = arith.constant 432 : index
    %swap3A_334 = tpu.vector_load %arg8[%swap3A_333] {strides = array<i32>} : memref<512xi32, #tpu.memory_space<vmem>>, vector<16xi32>,
    tpu.vector_store %arg8[%swap3A_333], %and3A_332 {strides = array<i32>} : memref<512xi32, #tpu.memory_space<vmem>>, vector<16xi32>,
    %get3A_335 = arith.constant 448 : index
    %get3A_336 = tpu.vector_load %arg6[%get3A_335] {strides = array<i32>} : memref<512xi32, #tpu.memory_space<vmem>>, vector<16xi32>,
    %shift_right_logical3A_337 = arith.constant 7 : i32
    %shift_right_logical3A_338 = vector.broadcast %shift_right_logical3A_337 : i32 to vector<16xi32>
    %shift_right_logical3A_339 = arith.shrui %get3A_336, %shift_right_logical3A_338 : vector<16xi32>
    %swap3A_340 = arith.constant 448 : index
    %swap3A_341 = tpu.vector_load %arg7[%swap3A_340] {strides = array<i32>} : memref<512xi32, #tpu.memory_space<vmem>>, vector<16xi32>,
    tpu.vector_store %arg7[%swap3A_340], %shift_right_logical3A_339 {strides = array<i32>} : memref<512xi32, #tpu.memory_space<vmem>>, vector<16xi32>,
    %and3A_342 = arith.constant 127 : i32
    %and3A_343 = vector.broadcast %and3A_342 : i32 to vector<16xi32>
    %and3A_344 = arith.andi %get3A_336, %and3A_343 : vector<16xi32>
    %swap3A_345 = arith.constant 448 : index
    %swap3A_346 = tpu.vector_load %arg8[%swap3A_345] {strides = array<i32>} : memref<512xi32, #tpu.memory_space<vmem>>, vector<16xi32>,
    tpu.vector_store %arg8[%swap3A_345], %and3A_344 {strides = array<i32>} : memref<512xi32, #tpu.memory_space<vmem>>, vector<16xi32>,
    %get3A_347 = arith.constant 464 : index
    %get3A_348 = tpu.vector_load %arg6[%get3A_347] {strides = array<i32>} : memref<512xi32, #tpu.memory_space<vmem>>, vector<16xi32>,
    %shift_right_logical3A_349 = arith.constant 7 : i32
    %shift_right_logical3A_350 = vector.broadcast %shift_right_logical3A_349 : i32 to vector<16xi32>
    %shift_right_logical3A_351 = arith.shrui %get3A_348, %shift_right_logical3A_350 : vector<16xi32>
    %swap3A_352 = arith.constant 464 : index
    %swap3A_353 = tpu.vector_load %arg7[%swap3A_352] {strides = array<i32>} : memref<512xi32, #tpu.memory_space<vmem>>, vector<16xi32>,
    tpu.vector_store %arg7[%swap3A_352], %shift_right_logical3A_351 {strides = array<i32>} : memref<512xi32, #tpu.memory_space<vmem>>, vector<16xi32>,
    %and3A_354 = arith.constant 127 : i32
    %and3A_355 = vector.broadcast %and3A_354 : i32 to vector<16xi32>
    %and3A_356 = arith.andi %get3A_348, %and3A_355 : vector<16xi32>
    %swap3A_357 = arith.constant 464 : index
    %swap3A_358 = tpu.vector_load %arg8[%swap3A_357] {strides = array<i32>} : memref<512xi32, #tpu.memory_space<vmem>>, vector<16xi32>,
    tpu.vector_store %arg8[%swap3A_357], %and3A_356 {strides = array<i32>} : memref<512xi32, #tpu.memory_space<vmem>>, vector<16xi32>,
    %get3A_359 = arith.constant 480 : index
    %get3A_360 = tpu.vector_load %arg6[%get3A_359] {strides = array<i32>} : memref<512xi32, #tpu.memory_space<vmem>>, vector<16xi32>,
    %shift_right_logical3A_361 = arith.constant 7 : i32
    %shift_right_logical3A_362 = vector.broadcast %shift_right_logical3A_361 : i32 to vector<16xi32>
    %shift_right_logical3A_363 = arith.shrui %get3A_360, %shift_right_logical3A_362 : vector<16xi32>
    %swap3A_364 = arith.constant 480 : index
    %swap3A_365 = tpu.vector_load %arg7[%swap3A_364] {strides = array<i32>} : memref<512xi32, #tpu.memory_space<vmem>>, vector<16xi32>,
    tpu.vector_store %arg7[%swap3A_364], %shift_right_logical3A_363 {strides = array<i32>} : memref<512xi32, #tpu.memory_space<vmem>>, vector<16xi32>,
    %and3A_366 = arith.constant 127 : i32
    %and3A_367 = vector.broadcast %and3A_366 : i32 to vector<16xi32>
    %and3A_368 = arith.andi %get3A_360, %and3A_367 : vector<16xi32>
    %swap3A_369 = arith.constant 480 : index
    %swap3A_370 = tpu.vector_load %arg8[%swap3A_369] {strides = array<i32>} : memref<512xi32, #tpu.memory_space<vmem>>, vector<16xi32>,
    tpu.vector_store %arg8[%swap3A_369], %and3A_368 {strides = array<i32>} : memref<512xi32, #tpu.memory_space<vmem>>, vector<16xi32>,
    %get3A_371 = arith.constant 496 : index
    %get3A_372 = tpu.vector_load %arg6[%get3A_371] {strides = array<i32>} : memref<512xi32, #tpu.memory_space<vmem>>, vector<16xi32>,
    %shift_right_logical3A_373 = arith.constant 7 : i32
    %shift_right_logical3A_374 = vector.broadcast %shift_right_logical3A_373 : i32 to vector<16xi32>
    %shift_right_logical3A_375 = arith.shrui %get3A_372, %shift_right_logical3A_374 : vector<16xi32>
    %swap3A_376 = arith.constant 496 : index
    %swap3A_377 = tpu.vector_load %arg7[%swap3A_376] {strides = array<i32>} : memref<512xi32, #tpu.memory_space<vmem>>, vector<16xi32>,
    tpu.vector_store %arg7[%swap3A_376], %shift_right_logical3A_375 {strides = array<i32>} : memref<512xi32, #tpu.memory_space<vmem>>, vector<16xi32>,
    %and3A_378 = arith.constant 127 : i32
    %and3A_379 = vector.broadcast %and3A_378 : i32 to vector<16xi32>
    %and3A_380 = arith.andi %get3A_372, %and3A_379 : vector<16xi32>
    %swap3A_381 = arith.constant 496 : index
    %swap3A_382 = tpu.vector_load %arg8[%swap3A_381] {strides = array<i32>} : memref<512xi32, #tpu.memory_space<vmem>>, vector<16xi32>,
    tpu.vector_store %arg8[%swap3A_381], %and3A_380 {strides = array<i32>} : memref<512xi32, #tpu.memory_space<vmem>>, vector<16xi32>,
    %dma_start3A = arith.constant 0 : i32
    %dma_start3A_383 = arith.constant 0 : i32
    %dma_start3A_384 = arith.constant 0 : i32
    %dma_start3A_385 = tpu.memref_slice %arg9[%dma_start3A_383, %dma_start3A_384] : memref<512x128xf32, #tpu.memory_space<vmem>> -> memref<128x128xf32, #tpu.memory_space<vmem>>
    %dma_start3A_386 = arith.constant 0 : i32
    %dma_start3A_387 = tpu.memref_slice %arg7[%dma_start3A_386] : memref<512xi32, #tpu.memory_space<vmem>> -> memref<128xi32, #tpu.memory_space<vmem>>
    %dma_start3A_388 = arith.constant 0 : i32
    %dma_start3A_389 = arith.constant 0 : i32
    %dma_start3A_390 = tpu.memref_slice %arg3[%dma_start3A_388, %dma_start3A_389] : memref<8192x128xf32, #tpu.memory_space<hbm>> -> memref<8192x128xf32, #tpu.memory_space<hbm>>
    %dma_start3A_391 = tpu.memref_slice %arg12[%dma_start3A] : memref<4x!tpu.dma_semaphore, #tpu.memory_space<semaphore_mem>> -> memref<1x!tpu.dma_semaphore, #tpu.memory_space<semaphore_mem>>
    %dma_start3A_392 = tpu.memref_squeeze %dma_start3A_391 : memref<1x!tpu.dma_semaphore, #tpu.memory_space<semaphore_mem>> -> memref<!tpu.dma_semaphore, #tpu.memory_space<semaphore_mem>>
    tpu.enqueue_indirect_dma source(%dma_start3A_390 : memref<8192x128xf32, #tpu.memory_space<hbm>>) target(%dma_start3A_385 : memref<128x128xf32, #tpu.memory_space<vmem>>) offsets(%dma_start3A_387 : memref<128xi32, #tpu.memory_space<vmem>>) semaphore(%dma_start3A_392 : memref<!tpu.dma_semaphore, #tpu.memory_space<semaphore_mem>>)
    %dma_start3A_393 = arith.constant 1 : i32
    %dma_start3A_394 = arith.constant 128 : i32
    %dma_start3A_395 = arith.constant 0 : i32
    %dma_start3A_396 = tpu.memref_slice %arg9[%dma_start3A_394, %dma_start3A_395] : memref<512x128xf32, #tpu.memory_space<vmem>> -> memref<128x128xf32, #tpu.memory_space<vmem>>
    %dma_start3A_397 = arith.constant 128 : i32
    %dma_start3A_398 = tpu.memref_slice %arg7[%dma_start3A_397] : memref<512xi32, #tpu.memory_space<vmem>> -> memref<128xi32, #tpu.memory_space<vmem>>
    %dma_start3A_399 = arith.constant 0 : i32
    %dma_start3A_400 = arith.constant 0 : i32
    %dma_start3A_401 = tpu.memref_slice %arg3[%dma_start3A_399, %dma_start3A_400] : memref<8192x128xf32, #tpu.memory_space<hbm>> -> memref<8192x128xf32, #tpu.memory_space<hbm>>
    %dma_start3A_402 = tpu.memref_slice %arg12[%dma_start3A_393] : memref<4x!tpu.dma_semaphore, #tpu.memory_space<semaphore_mem>> -> memref<1x!tpu.dma_semaphore, #tpu.memory_space<semaphore_mem>>
    %dma_start3A_403 = tpu.memref_squeeze %dma_start3A_402 : memref<1x!tpu.dma_semaphore, #tpu.memory_space<semaphore_mem>> -> memref<!tpu.dma_semaphore, #tpu.memory_space<semaphore_mem>>
    tpu.enqueue_indirect_dma source(%dma_start3A_401 : memref<8192x128xf32, #tpu.memory_space<hbm>>) target(%dma_start3A_396 : memref<128x128xf32, #tpu.memory_space<vmem>>) offsets(%dma_start3A_398 : memref<128xi32, #tpu.memory_space<vmem>>) semaphore(%dma_start3A_403 : memref<!tpu.dma_semaphore, #tpu.memory_space<semaphore_mem>>)
    %dma_start3A_404 = arith.constant 2 : i32
    %dma_start3A_405 = arith.constant 256 : i32
    %dma_start3A_406 = arith.constant 0 : i32
    %dma_start3A_407 = tpu.memref_slice %arg9[%dma_start3A_405, %dma_start3A_406] : memref<512x128xf32, #tpu.memory_space<vmem>> -> memref<128x128xf32, #tpu.memory_space<vmem>>
    %dma_start3A_408 = arith.constant 256 : i32
    %dma_start3A_409 = tpu.memref_slice %arg7[%dma_start3A_408] : memref<512xi32, #tpu.memory_space<vmem>> -> memref<128xi32, #tpu.memory_space<vmem>>
    %dma_start3A_410 = arith.constant 0 : i32
    %dma_start3A_411 = arith.constant 0 : i32
    %dma_start3A_412 = tpu.memref_slice %arg3[%dma_start3A_410, %dma_start3A_411] : memref<8192x128xf32, #tpu.memory_space<hbm>> -> memref<8192x128xf32, #tpu.memory_space<hbm>>
    %dma_start3A_413 = tpu.memref_slice %arg12[%dma_start3A_404] : memref<4x!tpu.dma_semaphore, #tpu.memory_space<semaphore_mem>> -> memref<1x!tpu.dma_semaphore, #tpu.memory_space<semaphore_mem>>
    %dma_start3A_414 = tpu.memref_squeeze %dma_start3A_413 : memref<1x!tpu.dma_semaphore, #tpu.memory_space<semaphore_mem>> -> memref<!tpu.dma_semaphore, #tpu.memory_space<semaphore_mem>>
    tpu.enqueue_indirect_dma source(%dma_start3A_412 : memref<8192x128xf32, #tpu.memory_space<hbm>>) target(%dma_start3A_407 : memref<128x128xf32, #tpu.memory_space<vmem>>) offsets(%dma_start3A_409 : memref<128xi32, #tpu.memory_space<vmem>>) semaphore(%dma_start3A_414 : memref<!tpu.dma_semaphore, #tpu.memory_space<semaphore_mem>>)
    %dma_start3A_415 = arith.constant 3 : i32
    %dma_start3A_416 = arith.constant 384 : i32
    %dma_start3A_417 = arith.constant 0 : i32
    %dma_start3A_418 = tpu.memref_slice %arg9[%dma_start3A_416, %dma_start3A_417] : memref<512x128xf32, #tpu.memory_space<vmem>> -> memref<128x128xf32, #tpu.memory_space<vmem>>
    %dma_start3A_419 = arith.constant 384 : i32
    %dma_start3A_420 = tpu.memref_slice %arg7[%dma_start3A_419] : memref<512xi32, #tpu.memory_space<vmem>> -> memref<128xi32, #tpu.memory_space<vmem>>
    %dma_start3A_421 = arith.constant 0 : i32
    %dma_start3A_422 = arith.constant 0 : i32
    %dma_start3A_423 = tpu.memref_slice %arg3[%dma_start3A_421, %dma_start3A_422] : memref<8192x128xf32, #tpu.memory_space<hbm>> -> memref<8192x128xf32, #tpu.memory_space<hbm>>
    %dma_start3A_424 = tpu.memref_slice %arg12[%dma_start3A_415] : memref<4x!tpu.dma_semaphore, #tpu.memory_space<semaphore_mem>> -> memref<1x!tpu.dma_semaphore, #tpu.memory_space<semaphore_mem>>
    %dma_start3A_425 = tpu.memref_squeeze %dma_start3A_424 : memref<1x!tpu.dma_semaphore, #tpu.memory_space<semaphore_mem>> -> memref<!tpu.dma_semaphore, #tpu.memory_space<semaphore_mem>>
    tpu.enqueue_indirect_dma source(%dma_start3A_423 : memref<8192x128xf32, #tpu.memory_space<hbm>>) target(%dma_start3A_418 : memref<128x128xf32, #tpu.memory_space<vmem>>) offsets(%dma_start3A_420 : memref<128xi32, #tpu.memory_space<vmem>>) semaphore(%dma_start3A_425 : memref<!tpu.dma_semaphore, #tpu.memory_space<semaphore_mem>>)
    %iota3A = tpu.iota {dimensions = array<i32: 0>} : vector<16xi32>
    %get3A_426 = arith.constant 0 : index
    %get3A_427 = tpu.vector_load %arg11[%get3A_426] {strides = array<i32>} : memref<16xf32, #tpu.memory_space<vmem>>, vector<16xf32>,
    %slice3A = vector.extract_strided_slice %get3A_427 {offsets = [0], sizes = [1], strides = [1]} : vector<16xf32> to vector<1xf32>
    %squeeze3A = vector.extract %slice3A[0] : f32 from vector<1xf32>
    %dma_wait3A = arith.constant 0 : i32
    %dma_wait3A_428 = arith.constant 0 : i32
    %dma_wait3A_429 = arith.constant 0 : i32
    %dma_wait3A_430 = tpu.memref_slice %arg9[%dma_wait3A_428, %dma_wait3A_429] : memref<512x128xf32, #tpu.memory_space<vmem>> -> memref<128x128xf32, #tpu.memory_space<vmem>>
    %dma_wait3A_431 = arith.constant 0 : i32
    %dma_wait3A_432 = tpu.memref_slice %arg7[%dma_wait3A_431] : memref<512xi32, #tpu.memory_space<vmem>> -> memref<128xi32, #tpu.memory_space<vmem>>
    %dma_wait3A_433 = arith.constant 0 : i32
    %dma_wait3A_434 = arith.constant 0 : i32
    %dma_wait3A_435 = tpu.memref_slice %arg3[%dma_wait3A_433, %dma_wait3A_434] : memref<8192x128xf32, #tpu.memory_space<hbm>> -> memref<8192x128xf32, #tpu.memory_space<hbm>>
    %dma_wait3A_436 = tpu.memref_slice %arg12[%dma_wait3A] : memref<4x!tpu.dma_semaphore, #tpu.memory_space<semaphore_mem>> -> memref<1x!tpu.dma_semaphore, #tpu.memory_space<semaphore_mem>>
    %dma_wait3A_437 = tpu.memref_squeeze %dma_wait3A_436 : memref<1x!tpu.dma_semaphore, #tpu.memory_space<semaphore_mem>> -> memref<!tpu.dma_semaphore, #tpu.memory_space<semaphore_mem>>
    tpu.wait_indirect_dma semaphore(%dma_wait3A_437 : memref<!tpu.dma_semaphore, #tpu.memory_space<semaphore_mem>>) src(%dma_wait3A_435 : memref<8192x128xf32, #tpu.memory_space<hbm>>) dst(%dma_wait3A_430 : memref<128x128xf32, #tpu.memory_space<vmem>>)
    %scan3A = arith.constant 0 : i32
    %scan3A_438 = arith.constant 0 : i32
    %scan3A_439 = arith.constant 8 : i32
    %scan3A_440 = arith.addi %scan3A_438, %scan3A_439 : i32
    %scan3A_441 = arith.constant 1 : i32
    scf.for %scan3A_494 = %scan3A_438 to %scan3A_440 step %scan3A_441  : i32 {
      %mul3A_495 = arith.constant 16 : i32
      %mul3A_496 = arith.muli %scan3A_494, %mul3A_495 : i32
      %add3A_497 = vector.broadcast %mul3A_496 : i32 to vector<16xi32>
      %add3A_498 = arith.addi %add3A_497, %iota3A : vector<16xi32>
      %mul3A_499 = arith.constant 16 : i32
      %mul3A_500 = arith.muli %scan3A_494, %mul3A_499 : i32
      %get3A_501 = arith.index_cast %mul3A_500 : i32 to index
      %get3A_502 = tpu.vector_load %arg8[%get3A_501] {strides = array<i32>} : memref<512xi32, #tpu.memory_space<vmem>>, vector<16xi32>,
      %gather3A = tpu.vector_load_idx %arg9[%add3A_498, %get3A_502] : memref<512x128xf32, #tpu.memory_space<vmem>>[vector<16xi32>, vector<16xi32>], vector<16xf32>,
      %add3A_503 = vector.broadcast %squeeze3A : f32 to vector<16xf32>
      %add3A_504 = arith.addf %gather3A, %add3A_503 : vector<16xf32>
      %mul3A_505 = arith.constant 16 : i32
      %mul3A_506 = arith.muli %scan3A_494, %mul3A_505 : i32
      %swap3A_507 = arith.index_cast %mul3A_506 : i32 to index
      %swap3A_508 = tpu.vector_load %arg10[%swap3A_507] {strides = array<i32>} : memref<512xf32, #tpu.memory_space<vmem>>, vector<16xf32>,
      tpu.vector_store %arg10[%swap3A_507], %add3A_504 {strides = array<i32>} : memref<512xf32, #tpu.memory_space<vmem>>, vector<16xf32>,
    }
    %scan3A_442 = arith.constant 8 : i32
    %dma_wait3A_443 = arith.constant 1 : i32
    %dma_wait3A_444 = arith.constant 128 : i32
    %dma_wait3A_445 = arith.constant 0 : i32
    %dma_wait3A_446 = tpu.memref_slice %arg9[%dma_wait3A_444, %dma_wait3A_445] : memref<512x128xf32, #tpu.memory_space<vmem>> -> memref<128x128xf32, #tpu.memory_space<vmem>>
    %dma_wait3A_447 = arith.constant 128 : i32
    %dma_wait3A_448 = tpu.memref_slice %arg7[%dma_wait3A_447] : memref<512xi32, #tpu.memory_space<vmem>> -> memref<128xi32, #tpu.memory_space<vmem>>
    %dma_wait3A_449 = arith.constant 0 : i32
    %dma_wait3A_450 = arith.constant 0 : i32
    %dma_wait3A_451 = tpu.memref_slice %arg3[%dma_wait3A_449, %dma_wait3A_450] : memref<8192x128xf32, #tpu.memory_space<hbm>> -> memref<8192x128xf32, #tpu.memory_space<hbm>>
    %dma_wait3A_452 = tpu.memref_slice %arg12[%dma_wait3A_443] : memref<4x!tpu.dma_semaphore, #tpu.memory_space<semaphore_mem>> -> memref<1x!tpu.dma_semaphore, #tpu.memory_space<semaphore_mem>>
    %dma_wait3A_453 = tpu.memref_squeeze %dma_wait3A_452 : memref<1x!tpu.dma_semaphore, #tpu.memory_space<semaphore_mem>> -> memref<!tpu.dma_semaphore, #tpu.memory_space<semaphore_mem>>
    tpu.wait_indirect_dma semaphore(%dma_wait3A_453 : memref<!tpu.dma_semaphore, #tpu.memory_space<semaphore_mem>>) src(%dma_wait3A_451 : memref<8192x128xf32, #tpu.memory_space<hbm>>) dst(%dma_wait3A_446 : memref<128x128xf32, #tpu.memory_space<vmem>>)
    %scan3A_454 = arith.constant 0 : i32
    %scan3A_455 = arith.constant 8 : i32
    %scan3A_456 = arith.constant 8 : i32
    %scan3A_457 = arith.addi %scan3A_455, %scan3A_456 : i32
    %scan3A_458 = arith.constant 1 : i32
    scf.for %scan3A_494 = %scan3A_455 to %scan3A_457 step %scan3A_458  : i32 {
      %mul3A_495 = arith.constant 16 : i32
      %mul3A_496 = arith.muli %scan3A_494, %mul3A_495 : i32
      %add3A_497 = vector.broadcast %mul3A_496 : i32 to vector<16xi32>
      %add3A_498 = arith.addi %add3A_497, %iota3A : vector<16xi32>
      %mul3A_499 = arith.constant 16 : i32
      %mul3A_500 = arith.muli %scan3A_494, %mul3A_499 : i32
      %get3A_501 = arith.index_cast %mul3A_500 : i32 to index
      %get3A_502 = tpu.vector_load %arg8[%get3A_501] {strides = array<i32>} : memref<512xi32, #tpu.memory_space<vmem>>, vector<16xi32>,
      %gather3A = tpu.vector_load_idx %arg9[%add3A_498, %get3A_502] : memref<512x128xf32, #tpu.memory_space<vmem>>[vector<16xi32>, vector<16xi32>], vector<16xf32>,
      %add3A_503 = vector.broadcast %squeeze3A : f32 to vector<16xf32>
      %add3A_504 = arith.addf %gather3A, %add3A_503 : vector<16xf32>
      %mul3A_505 = arith.constant 16 : i32
      %mul3A_506 = arith.muli %scan3A_494, %mul3A_505 : i32
      %swap3A_507 = arith.index_cast %mul3A_506 : i32 to index
      %swap3A_508 = tpu.vector_load %arg10[%swap3A_507] {strides = array<i32>} : memref<512xf32, #tpu.memory_space<vmem>>, vector<16xf32>,
      tpu.vector_store %arg10[%swap3A_507], %add3A_504 {strides = array<i32>} : memref<512xf32, #tpu.memory_space<vmem>>, vector<16xf32>,
    }
    %scan3A_459 = arith.constant 8 : i32
    %dma_wait3A_460 = arith.constant 2 : i32
    %dma_wait3A_461 = arith.constant 256 : i32
    %dma_wait3A_462 = arith.constant 0 : i32
    %dma_wait3A_463 = tpu.memref_slice %arg9[%dma_wait3A_461, %dma_wait3A_462] : memref<512x128xf32, #tpu.memory_space<vmem>> -> memref<128x128xf32, #tpu.memory_space<vmem>>
    %dma_wait3A_464 = arith.constant 256 : i32
    %dma_wait3A_465 = tpu.memref_slice %arg7[%dma_wait3A_464] : memref<512xi32, #tpu.memory_space<vmem>> -> memref<128xi32, #tpu.memory_space<vmem>>
    %dma_wait3A_466 = arith.constant 0 : i32
    %dma_wait3A_467 = arith.constant 0 : i32
    %dma_wait3A_468 = tpu.memref_slice %arg3[%dma_wait3A_466, %dma_wait3A_467] : memref<8192x128xf32, #tpu.memory_space<hbm>> -> memref<8192x128xf32, #tpu.memory_space<hbm>>
    %dma_wait3A_469 = tpu.memref_slice %arg12[%dma_wait3A_460] : memref<4x!tpu.dma_semaphore, #tpu.memory_space<semaphore_mem>> -> memref<1x!tpu.dma_semaphore, #tpu.memory_space<semaphore_mem>>
    %dma_wait3A_470 = tpu.memref_squeeze %dma_wait3A_469 : memref<1x!tpu.dma_semaphore, #tpu.memory_space<semaphore_mem>> -> memref<!tpu.dma_semaphore, #tpu.memory_space<semaphore_mem>>
    tpu.wait_indirect_dma semaphore(%dma_wait3A_470 : memref<!tpu.dma_semaphore, #tpu.memory_space<semaphore_mem>>) src(%dma_wait3A_468 : memref<8192x128xf32, #tpu.memory_space<hbm>>) dst(%dma_wait3A_463 : memref<128x128xf32, #tpu.memory_space<vmem>>)
    %scan3A_471 = arith.constant 0 : i32
    %scan3A_472 = arith.constant 16 : i32
    %scan3A_473 = arith.constant 8 : i32
    %scan3A_474 = arith.addi %scan3A_472, %scan3A_473 : i32
    %scan3A_475 = arith.constant 1 : i32
    scf.for %scan3A_494 = %scan3A_472 to %scan3A_474 step %scan3A_475  : i32 {
      %mul3A_495 = arith.constant 16 : i32
      %mul3A_496 = arith.muli %scan3A_494, %mul3A_495 : i32
      %add3A_497 = vector.broadcast %mul3A_496 : i32 to vector<16xi32>
      %add3A_498 = arith.addi %add3A_497, %iota3A : vector<16xi32>
      %mul3A_499 = arith.constant 16 : i32
      %mul3A_500 = arith.muli %scan3A_494, %mul3A_499 : i32
      %get3A_501 = arith.index_cast %mul3A_500 : i32 to index
      %get3A_502 = tpu.vector_load %arg8[%get3A_501] {strides = array<i32>} : memref<512xi32, #tpu.memory_space<vmem>>, vector<16xi32>,
      %gather3A = tpu.vector_load_idx %arg9[%add3A_498, %get3A_502] : memref<512x128xf32, #tpu.memory_space<vmem>>[vector<16xi32>, vector<16xi32>], vector<16xf32>,
      %add3A_503 = vector.broadcast %squeeze3A : f32 to vector<16xf32>
      %add3A_504 = arith.addf %gather3A, %add3A_503 : vector<16xf32>
      %mul3A_505 = arith.constant 16 : i32
      %mul3A_506 = arith.muli %scan3A_494, %mul3A_505 : i32
      %swap3A_507 = arith.index_cast %mul3A_506 : i32 to index
      %swap3A_508 = tpu.vector_load %arg10[%swap3A_507] {strides = array<i32>} : memref<512xf32, #tpu.memory_space<vmem>>, vector<16xf32>,
      tpu.vector_store %arg10[%swap3A_507], %add3A_504 {strides = array<i32>} : memref<512xf32, #tpu.memory_space<vmem>>, vector<16xf32>,
    }
    %scan3A_476 = arith.constant 8 : i32
    %dma_wait3A_477 = arith.constant 3 : i32
    %dma_wait3A_478 = arith.constant 384 : i32
    %dma_wait3A_479 = arith.constant 0 : i32
    %dma_wait3A_480 = tpu.memref_slice %arg9[%dma_wait3A_478, %dma_wait3A_479] : memref<512x128xf32, #tpu.memory_space<vmem>> -> memref<128x128xf32, #tpu.memory_space<vmem>>
    %dma_wait3A_481 = arith.constant 384 : i32
    %dma_wait3A_482 = tpu.memref_slice %arg7[%dma_wait3A_481] : memref<512xi32, #tpu.memory_space<vmem>> -> memref<128xi32, #tpu.memory_space<vmem>>
    %dma_wait3A_483 = arith.constant 0 : i32
    %dma_wait3A_484 = arith.constant 0 : i32
    %dma_wait3A_485 = tpu.memref_slice %arg3[%dma_wait3A_483, %dma_wait3A_484] : memref<8192x128xf32, #tpu.memory_space<hbm>> -> memref<8192x128xf32, #tpu.memory_space<hbm>>
    %dma_wait3A_486 = tpu.memref_slice %arg12[%dma_wait3A_477] : memref<4x!tpu.dma_semaphore, #tpu.memory_space<semaphore_mem>> -> memref<1x!tpu.dma_semaphore, #tpu.memory_space<semaphore_mem>>
    %dma_wait3A_487 = tpu.memref_squeeze %dma_wait3A_486 : memref<1x!tpu.dma_semaphore, #tpu.memory_space<semaphore_mem>> -> memref<!tpu.dma_semaphore, #tpu.memory_space<semaphore_mem>>
    tpu.wait_indirect_dma semaphore(%dma_wait3A_487 : memref<!tpu.dma_semaphore, #tpu.memory_space<semaphore_mem>>) src(%dma_wait3A_485 : memref<8192x128xf32, #tpu.memory_space<hbm>>) dst(%dma_wait3A_480 : memref<128x128xf32, #tpu.memory_space<vmem>>)
    %scan3A_488 = arith.constant 0 : i32
    %scan3A_489 = arith.constant 24 : i32
    %scan3A_490 = arith.constant 8 : i32
    %scan3A_491 = arith.addi %scan3A_489, %scan3A_490 : i32
    %scan3A_492 = arith.constant 1 : i32
    scf.for %scan3A_494 = %scan3A_489 to %scan3A_491 step %scan3A_492  : i32 {
      %mul3A_495 = arith.constant 16 : i32
      %mul3A_496 = arith.muli %scan3A_494, %mul3A_495 : i32
      %add3A_497 = vector.broadcast %mul3A_496 : i32 to vector<16xi32>
      %add3A_498 = arith.addi %add3A_497, %iota3A : vector<16xi32>
      %mul3A_499 = arith.constant 16 : i32
      %mul3A_500 = arith.muli %scan3A_494, %mul3A_499 : i32
      %get3A_501 = arith.index_cast %mul3A_500 : i32 to index
      %get3A_502 = tpu.vector_load %arg8[%get3A_501] {strides = array<i32>} : memref<512xi32, #tpu.memory_space<vmem>>, vector<16xi32>,
      %gather3A = tpu.vector_load_idx %arg9[%add3A_498, %get3A_502] : memref<512x128xf32, #tpu.memory_space<vmem>>[vector<16xi32>, vector<16xi32>], vector<16xf32>,
      %add3A_503 = vector.broadcast %squeeze3A : f32 to vector<16xf32>
      %add3A_504 = arith.addf %gather3A, %add3A_503 : vector<16xf32>
      %mul3A_505 = arith.constant 16 : i32
      %mul3A_506 = arith.muli %scan3A_494, %mul3A_505 : i32
      %swap3A_507 = arith.index_cast %mul3A_506 : i32 to index
      %swap3A_508 = tpu.vector_load %arg10[%swap3A_507] {strides = array<i32>} : memref<512xf32, #tpu.memory_space<vmem>>, vector<16xf32>,
      tpu.vector_store %arg10[%swap3A_507], %add3A_504 {strides = array<i32>} : memref<512xf32, #tpu.memory_space<vmem>>, vector<16xf32>,
    }
    %scan3A_493 = arith.constant 8 : i32
    "tpu.region"() ({
      %run_scoped3A = tpu.sem_alloc : memref<!tpu.dma_semaphore, #tpu.memory_space<semaphore_mem>>
      %dma_start3A_494 = tpu.memref_slice %arg5[%mul3A_2] : memref<16384xf32, #tpu.memory_space<hbm>> -> memref<512xf32, #tpu.memory_space<hbm>>
      %dma_start3A_495 = tpu.memref_slice %arg5[%mul3A_2] : memref<16384xf32, #tpu.memory_space<hbm>> -> memref<512xf32, #tpu.memory_space<hbm>>
      tpu.enqueue_dma source(%arg10 : memref<512xf32, #tpu.memory_space<vmem>>) target(%dma_start3A_495 : memref<512xf32, #tpu.memory_space<hbm>>) target_semaphore(%run_scoped3A : memref<!tpu.dma_semaphore, #tpu.memory_space<semaphore_mem>>)
      %dma_wait3A_496 = tpu.memref_slice %arg5[%mul3A_2] : memref<16384xf32, #tpu.memory_space<hbm>> -> memref<512xf32, #tpu.memory_space<hbm>>
      %dma_wait3A_497 = tpu.memref_slice %arg5[%mul3A_2] : memref<16384xf32, #tpu.memory_space<hbm>> -> memref<512xf32, #tpu.memory_space<hbm>>
      tpu.wait_dma2 semaphore(%run_scoped3A : memref<!tpu.dma_semaphore, #tpu.memory_space<semaphore_mem>>) src(%arg10 : memref<512xf32, #tpu.memory_space<vmem>>) dst(%dma_wait3A_497 : memref<512xf32, #tpu.memory_space<hbm>>)
      tpu.yield
    }) : () -> ()
    return
  }
}

module attributes {stable_mosaic.version = 14 : i64} {
  func.func @_tc_body(%arg0: i32, %arg1: memref<1x16xf32, #tpu.memory_space<smem>>, %arg2: memref<16x131072xf32, #tpu.memory_space<vmem>>, %arg3: memref<1024x128xf32, #tpu.memory_space<vmem>>) attributes {dimension_semantics = [#tpu.dimension_semantics<arbitrary>], iteration_bounds = array<i64: 8>, scalar_prefetch = 0 : i64, scratch_operands = 0 : i64, tpu.core_type = #tpu.core_type<tc>, window_params = [{transform_indices = @transform_0, window_bounds = array<i64: 1, 16>}, {transform_indices = @transform_1, window_bounds = array<i64: 16, 131072>}, {transform_indices = @transform_2, window_bounds = array<i64: 1024, 128>}]} {
    %broadcast_in_dim3A = arith.constant 0.000000e+00 : f32
    %broadcast_in_dim3A_0 = vector.broadcast %broadcast_in_dim3A : f32 to vector<1024x128xf32>
    %get3A = arith.constant 0 : index
    %get3A_1 = arith.constant 0 : index
    %get3A_2 = vector.load %arg2[%get3A, %get3A_1] : memref<16x131072xf32, #tpu.memory_space<vmem>>, vector<1x131072xf32>
    %get3A_3 = vector.shape_cast %get3A_2 : vector<1x131072xf32> to vector<131072xf32>
    %reshape3A = vector.shape_cast %get3A_3 : vector<131072xf32> to vector<1024x128xf32>
    %get3A_4 = arith.constant 0 : index
    %get3A_5 = arith.constant 0 : index
    %get3A_6 = memref.load %arg1[%get3A_4, %get3A_5] : memref<1x16xf32, #tpu.memory_space<smem>>
    %mul3A = vector.broadcast %get3A_6 : f32 to vector<1024x128xf32>
    %mul3A_7 = arith.mulf %reshape3A, %mul3A : vector<1024x128xf32>
    %add3A = arith.addf %broadcast_in_dim3A_0, %mul3A_7 : vector<1024x128xf32>
    %get3A_8 = arith.constant 1 : index
    %get3A_9 = arith.constant 0 : index
    %get3A_10 = vector.load %arg2[%get3A_8, %get3A_9] : memref<16x131072xf32, #tpu.memory_space<vmem>>, vector<1x131072xf32>
    %get3A_11 = vector.shape_cast %get3A_10 : vector<1x131072xf32> to vector<131072xf32>
    %reshape3A_12 = vector.shape_cast %get3A_11 : vector<131072xf32> to vector<1024x128xf32>
    %get3A_13 = arith.constant 0 : index
    %get3A_14 = arith.constant 1 : index
    %get3A_15 = memref.load %arg1[%get3A_13, %get3A_14] : memref<1x16xf32, #tpu.memory_space<smem>>
    %mul3A_16 = vector.broadcast %get3A_15 : f32 to vector<1024x128xf32>
    %mul3A_17 = arith.mulf %reshape3A_12, %mul3A_16 : vector<1024x128xf32>
    %add3A_18 = arith.addf %add3A, %mul3A_17 : vector<1024x128xf32>
    %get3A_19 = arith.constant 2 : index
    %get3A_20 = arith.constant 0 : index
    %get3A_21 = vector.load %arg2[%get3A_19, %get3A_20] : memref<16x131072xf32, #tpu.memory_space<vmem>>, vector<1x131072xf32>
    %get3A_22 = vector.shape_cast %get3A_21 : vector<1x131072xf32> to vector<131072xf32>
    %reshape3A_23 = vector.shape_cast %get3A_22 : vector<131072xf32> to vector<1024x128xf32>
    %get3A_24 = arith.constant 0 : index
    %get3A_25 = arith.constant 2 : index
    %get3A_26 = memref.load %arg1[%get3A_24, %get3A_25] : memref<1x16xf32, #tpu.memory_space<smem>>
    %mul3A_27 = vector.broadcast %get3A_26 : f32 to vector<1024x128xf32>
    %mul3A_28 = arith.mulf %reshape3A_23, %mul3A_27 : vector<1024x128xf32>
    %add3A_29 = arith.addf %add3A_18, %mul3A_28 : vector<1024x128xf32>
    %get3A_30 = arith.constant 3 : index
    %get3A_31 = arith.constant 0 : index
    %get3A_32 = vector.load %arg2[%get3A_30, %get3A_31] : memref<16x131072xf32, #tpu.memory_space<vmem>>, vector<1x131072xf32>
    %get3A_33 = vector.shape_cast %get3A_32 : vector<1x131072xf32> to vector<131072xf32>
    %reshape3A_34 = vector.shape_cast %get3A_33 : vector<131072xf32> to vector<1024x128xf32>
    %get3A_35 = arith.constant 0 : index
    %get3A_36 = arith.constant 3 : index
    %get3A_37 = memref.load %arg1[%get3A_35, %get3A_36] : memref<1x16xf32, #tpu.memory_space<smem>>
    %mul3A_38 = vector.broadcast %get3A_37 : f32 to vector<1024x128xf32>
    %mul3A_39 = arith.mulf %reshape3A_34, %mul3A_38 : vector<1024x128xf32>
    %add3A_40 = arith.addf %add3A_29, %mul3A_39 : vector<1024x128xf32>
    %get3A_41 = arith.constant 4 : index
    %get3A_42 = arith.constant 0 : index
    %get3A_43 = vector.load %arg2[%get3A_41, %get3A_42] : memref<16x131072xf32, #tpu.memory_space<vmem>>, vector<1x131072xf32>
    %get3A_44 = vector.shape_cast %get3A_43 : vector<1x131072xf32> to vector<131072xf32>
    %reshape3A_45 = vector.shape_cast %get3A_44 : vector<131072xf32> to vector<1024x128xf32>
    %get3A_46 = arith.constant 0 : index
    %get3A_47 = arith.constant 4 : index
    %get3A_48 = memref.load %arg1[%get3A_46, %get3A_47] : memref<1x16xf32, #tpu.memory_space<smem>>
    %mul3A_49 = vector.broadcast %get3A_48 : f32 to vector<1024x128xf32>
    %mul3A_50 = arith.mulf %reshape3A_45, %mul3A_49 : vector<1024x128xf32>
    %add3A_51 = arith.addf %add3A_40, %mul3A_50 : vector<1024x128xf32>
    %get3A_52 = arith.constant 5 : index
    %get3A_53 = arith.constant 0 : index
    %get3A_54 = vector.load %arg2[%get3A_52, %get3A_53] : memref<16x131072xf32, #tpu.memory_space<vmem>>, vector<1x131072xf32>
    %get3A_55 = vector.shape_cast %get3A_54 : vector<1x131072xf32> to vector<131072xf32>
    %reshape3A_56 = vector.shape_cast %get3A_55 : vector<131072xf32> to vector<1024x128xf32>
    %get3A_57 = arith.constant 0 : index
    %get3A_58 = arith.constant 5 : index
    %get3A_59 = memref.load %arg1[%get3A_57, %get3A_58] : memref<1x16xf32, #tpu.memory_space<smem>>
    %mul3A_60 = vector.broadcast %get3A_59 : f32 to vector<1024x128xf32>
    %mul3A_61 = arith.mulf %reshape3A_56, %mul3A_60 : vector<1024x128xf32>
    %add3A_62 = arith.addf %add3A_51, %mul3A_61 : vector<1024x128xf32>
    %get3A_63 = arith.constant 6 : index
    %get3A_64 = arith.constant 0 : index
    %get3A_65 = vector.load %arg2[%get3A_63, %get3A_64] : memref<16x131072xf32, #tpu.memory_space<vmem>>, vector<1x131072xf32>
    %get3A_66 = vector.shape_cast %get3A_65 : vector<1x131072xf32> to vector<131072xf32>
    %reshape3A_67 = vector.shape_cast %get3A_66 : vector<131072xf32> to vector<1024x128xf32>
    %get3A_68 = arith.constant 0 : index
    %get3A_69 = arith.constant 6 : index
    %get3A_70 = memref.load %arg1[%get3A_68, %get3A_69] : memref<1x16xf32, #tpu.memory_space<smem>>
    %mul3A_71 = vector.broadcast %get3A_70 : f32 to vector<1024x128xf32>
    %mul3A_72 = arith.mulf %reshape3A_67, %mul3A_71 : vector<1024x128xf32>
    %add3A_73 = arith.addf %add3A_62, %mul3A_72 : vector<1024x128xf32>
    %get3A_74 = arith.constant 7 : index
    %get3A_75 = arith.constant 0 : index
    %get3A_76 = vector.load %arg2[%get3A_74, %get3A_75] : memref<16x131072xf32, #tpu.memory_space<vmem>>, vector<1x131072xf32>
    %get3A_77 = vector.shape_cast %get3A_76 : vector<1x131072xf32> to vector<131072xf32>
    %reshape3A_78 = vector.shape_cast %get3A_77 : vector<131072xf32> to vector<1024x128xf32>
    %get3A_79 = arith.constant 0 : index
    %get3A_80 = arith.constant 7 : index
    %get3A_81 = memref.load %arg1[%get3A_79, %get3A_80] : memref<1x16xf32, #tpu.memory_space<smem>>
    %mul3A_82 = vector.broadcast %get3A_81 : f32 to vector<1024x128xf32>
    %mul3A_83 = arith.mulf %reshape3A_78, %mul3A_82 : vector<1024x128xf32>
    %add3A_84 = arith.addf %add3A_73, %mul3A_83 : vector<1024x128xf32>
    %get3A_85 = arith.constant 8 : index
    %get3A_86 = arith.constant 0 : index
    %get3A_87 = vector.load %arg2[%get3A_85, %get3A_86] : memref<16x131072xf32, #tpu.memory_space<vmem>>, vector<1x131072xf32>
    %get3A_88 = vector.shape_cast %get3A_87 : vector<1x131072xf32> to vector<131072xf32>
    %reshape3A_89 = vector.shape_cast %get3A_88 : vector<131072xf32> to vector<1024x128xf32>
    %get3A_90 = arith.constant 0 : index
    %get3A_91 = arith.constant 8 : index
    %get3A_92 = memref.load %arg1[%get3A_90, %get3A_91] : memref<1x16xf32, #tpu.memory_space<smem>>
    %mul3A_93 = vector.broadcast %get3A_92 : f32 to vector<1024x128xf32>
    %mul3A_94 = arith.mulf %reshape3A_89, %mul3A_93 : vector<1024x128xf32>
    %add3A_95 = arith.addf %add3A_84, %mul3A_94 : vector<1024x128xf32>
    %get3A_96 = arith.constant 9 : index
    %get3A_97 = arith.constant 0 : index
    %get3A_98 = vector.load %arg2[%get3A_96, %get3A_97] : memref<16x131072xf32, #tpu.memory_space<vmem>>, vector<1x131072xf32>
    %get3A_99 = vector.shape_cast %get3A_98 : vector<1x131072xf32> to vector<131072xf32>
    %reshape3A_100 = vector.shape_cast %get3A_99 : vector<131072xf32> to vector<1024x128xf32>
    %get3A_101 = arith.constant 0 : index
    %get3A_102 = arith.constant 9 : index
    %get3A_103 = memref.load %arg1[%get3A_101, %get3A_102] : memref<1x16xf32, #tpu.memory_space<smem>>
    %mul3A_104 = vector.broadcast %get3A_103 : f32 to vector<1024x128xf32>
    %mul3A_105 = arith.mulf %reshape3A_100, %mul3A_104 : vector<1024x128xf32>
    %add3A_106 = arith.addf %add3A_95, %mul3A_105 : vector<1024x128xf32>
    %get3A_107 = arith.constant 10 : index
    %get3A_108 = arith.constant 0 : index
    %get3A_109 = vector.load %arg2[%get3A_107, %get3A_108] : memref<16x131072xf32, #tpu.memory_space<vmem>>, vector<1x131072xf32>
    %get3A_110 = vector.shape_cast %get3A_109 : vector<1x131072xf32> to vector<131072xf32>
    %reshape3A_111 = vector.shape_cast %get3A_110 : vector<131072xf32> to vector<1024x128xf32>
    %get3A_112 = arith.constant 0 : index
    %get3A_113 = arith.constant 10 : index
    %get3A_114 = memref.load %arg1[%get3A_112, %get3A_113] : memref<1x16xf32, #tpu.memory_space<smem>>
    %mul3A_115 = vector.broadcast %get3A_114 : f32 to vector<1024x128xf32>
    %mul3A_116 = arith.mulf %reshape3A_111, %mul3A_115 : vector<1024x128xf32>
    %add3A_117 = arith.addf %add3A_106, %mul3A_116 : vector<1024x128xf32>
    %get3A_118 = arith.constant 11 : index
    %get3A_119 = arith.constant 0 : index
    %get3A_120 = vector.load %arg2[%get3A_118, %get3A_119] : memref<16x131072xf32, #tpu.memory_space<vmem>>, vector<1x131072xf32>
    %get3A_121 = vector.shape_cast %get3A_120 : vector<1x131072xf32> to vector<131072xf32>
    %reshape3A_122 = vector.shape_cast %get3A_121 : vector<131072xf32> to vector<1024x128xf32>
    %get3A_123 = arith.constant 0 : index
    %get3A_124 = arith.constant 11 : index
    %get3A_125 = memref.load %arg1[%get3A_123, %get3A_124] : memref<1x16xf32, #tpu.memory_space<smem>>
    %mul3A_126 = vector.broadcast %get3A_125 : f32 to vector<1024x128xf32>
    %mul3A_127 = arith.mulf %reshape3A_122, %mul3A_126 : vector<1024x128xf32>
    %add3A_128 = arith.addf %add3A_117, %mul3A_127 : vector<1024x128xf32>
    %get3A_129 = arith.constant 12 : index
    %get3A_130 = arith.constant 0 : index
    %get3A_131 = vector.load %arg2[%get3A_129, %get3A_130] : memref<16x131072xf32, #tpu.memory_space<vmem>>, vector<1x131072xf32>
    %get3A_132 = vector.shape_cast %get3A_131 : vector<1x131072xf32> to vector<131072xf32>
    %reshape3A_133 = vector.shape_cast %get3A_132 : vector<131072xf32> to vector<1024x128xf32>
    %get3A_134 = arith.constant 0 : index
    %get3A_135 = arith.constant 12 : index
    %get3A_136 = memref.load %arg1[%get3A_134, %get3A_135] : memref<1x16xf32, #tpu.memory_space<smem>>
    %mul3A_137 = vector.broadcast %get3A_136 : f32 to vector<1024x128xf32>
    %mul3A_138 = arith.mulf %reshape3A_133, %mul3A_137 : vector<1024x128xf32>
    %add3A_139 = arith.addf %add3A_128, %mul3A_138 : vector<1024x128xf32>
    %get3A_140 = arith.constant 13 : index
    %get3A_141 = arith.constant 0 : index
    %get3A_142 = vector.load %arg2[%get3A_140, %get3A_141] : memref<16x131072xf32, #tpu.memory_space<vmem>>, vector<1x131072xf32>
    %get3A_143 = vector.shape_cast %get3A_142 : vector<1x131072xf32> to vector<131072xf32>
    %reshape3A_144 = vector.shape_cast %get3A_143 : vector<131072xf32> to vector<1024x128xf32>
    %get3A_145 = arith.constant 0 : index
    %get3A_146 = arith.constant 13 : index
    %get3A_147 = memref.load %arg1[%get3A_145, %get3A_146] : memref<1x16xf32, #tpu.memory_space<smem>>
    %mul3A_148 = vector.broadcast %get3A_147 : f32 to vector<1024x128xf32>
    %mul3A_149 = arith.mulf %reshape3A_144, %mul3A_148 : vector<1024x128xf32>
    %add3A_150 = arith.addf %add3A_139, %mul3A_149 : vector<1024x128xf32>
    %get3A_151 = arith.constant 14 : index
    %get3A_152 = arith.constant 0 : index
    %get3A_153 = vector.load %arg2[%get3A_151, %get3A_152] : memref<16x131072xf32, #tpu.memory_space<vmem>>, vector<1x131072xf32>
    %get3A_154 = vector.shape_cast %get3A_153 : vector<1x131072xf32> to vector<131072xf32>
    %reshape3A_155 = vector.shape_cast %get3A_154 : vector<131072xf32> to vector<1024x128xf32>
    %get3A_156 = arith.constant 0 : index
    %get3A_157 = arith.constant 14 : index
    %get3A_158 = memref.load %arg1[%get3A_156, %get3A_157] : memref<1x16xf32, #tpu.memory_space<smem>>
    %mul3A_159 = vector.broadcast %get3A_158 : f32 to vector<1024x128xf32>
    %mul3A_160 = arith.mulf %reshape3A_155, %mul3A_159 : vector<1024x128xf32>
    %add3A_161 = arith.addf %add3A_150, %mul3A_160 : vector<1024x128xf32>
    %get3A_162 = arith.constant 15 : index
    %get3A_163 = arith.constant 0 : index
    %get3A_164 = vector.load %arg2[%get3A_162, %get3A_163] : memref<16x131072xf32, #tpu.memory_space<vmem>>, vector<1x131072xf32>
    %get3A_165 = vector.shape_cast %get3A_164 : vector<1x131072xf32> to vector<131072xf32>
    %reshape3A_166 = vector.shape_cast %get3A_165 : vector<131072xf32> to vector<1024x128xf32>
    %get3A_167 = arith.constant 0 : index
    %get3A_168 = arith.constant 15 : index
    %get3A_169 = memref.load %arg1[%get3A_167, %get3A_168] : memref<1x16xf32, #tpu.memory_space<smem>>
    %mul3A_170 = vector.broadcast %get3A_169 : f32 to vector<1024x128xf32>
    %mul3A_171 = arith.mulf %reshape3A_166, %mul3A_170 : vector<1024x128xf32>
    %add3A_172 = arith.addf %add3A_161, %mul3A_171 : vector<1024x128xf32>
    %swap3A = arith.constant 0 : index
    %swap3A_173 = arith.constant 0 : index
    %swap3A_174 = vector.load %arg3[%swap3A, %swap3A_173] : memref<1024x128xf32, #tpu.memory_space<vmem>>, vector<1024x128xf32>
    tpu.vector_store %arg3[%swap3A, %swap3A_173], %add3A_172 {strides = array<i32>} : memref<1024x128xf32, #tpu.memory_space<vmem>>, vector<1024x128xf32>,
    return
  }
  func.func @transform_0(%arg0: i32) -> (i32, i32) {
    %c0_i32 = arith.constant 0 : i32
    %c0_i32_0 = arith.constant 0 : i32
    %c0_i32_1 = arith.constant 0 : i32
    return %c0_i32, %c0_i32_0 : i32, i32
  }
  func.func @transform_1(%arg0: i32) -> (i32, i32) {
    %c0_i32 = arith.constant 0 : i32
    %c0_i32_0 = arith.constant 0 : i32
    return %c0_i32, %arg0 : i32, i32
  }
  func.func @transform_2(%arg0: i32) -> (i32, i32) {
    %c0_i32 = arith.constant 0 : i32
    %c0_i32_0 = arith.constant 0 : i32
    return %arg0, %c0_i32 : i32, i32
  }
}

</mosaic_0001>

<sc_bundles>
// kernel: kernel.4.cloned.1.call-start
scs
__scs_entry_jumppad:
0x0: {  	(pc) =	sbr.rel $0x88, $3  }
0x1: {  	(tag) =	ssettag $0x0;
	lr =	simm.s32 $0x1  }
0x2: {  	[smem:$0x3F9D] =	sst lr;
	_ =	strace $0xD0000000  }
0x3: {  	_ = 	snop  }
0x4: {  	_ = 	snop  }
0x5: {  	_ = 	snop  }
0x6: {  	_ = 	snop  }
0x7: {  	_ = 	snop  }
__scs_overlays_trampoline_lowered:
0x8: {  	[smem:$0x3FAC] =	sst s0  }
0x9: {  	[smem:$0x3FAD] =	sst s1  }
0xa: {  	[smem:$0x3FAE] =	sst s2  }
0xb: {  	[smem:$0x3FAF] =	sst s3  }
0xc: {  	[smem:$0x3FB0] =	sst s4  }
0xd: {  	[smem:$0x3FB1] =	sst s5  }
0xe: {  	[smem:$0x3FB2] =	sst s6  }
0xf: {  	[smem:$0x3FB3] =	sst s7  }
0x10: {  	[smem:$0x3FB4] =	sst s8  }
0x11: {  	[smem:$0x3FB5] =	sst s9;
	s0 =	simm.s32 @!p0 $0x0  }
0x12: {  	s1 =	sld [smem:$0x3F9B];
	s0 =	simm.s32 @p0 $0x1  }
0x13: {  	[smem:$0x3FB6] =	sst s0;
	s0 =	simm.s32 @!p1 $0x0  }
0x14: {  	s2 =	sld [smem:$0x3F9A];
	s0 =	simm.s32 @p1 $0x1  }
0x15: {  	[smem:$0x3FB7] =	sst s0;
	s0 =	simm.s32 @!p2 $0x0  }
0x16: {  	s3 =	sld [smem:$0x3FDB];
	s0 =	simm.s32 @p2 $0x1  }
0x17: {  	s4 =	simm.s32 $0x1BF5;
	[smem:$0x3FB9] =	sst s0  }
0x18: {  	s0 =	sld [smem:$0x3F9C];
	_ =	swait.ge [sflag:s4], $0x0  }
0x19: {  	s7 =	sld [smem:$0x3F9D]  }
0x1a: {  	s8 =	sadd.s32 $0xFFFFE003, lr  }
0x1b: {  	s9 =	sadd.s32 $0xFFFFFEF7, lr;
	s5 =	simm.s32 $0xFFFFFFFF;
	p2 =	slt.u32 s8, $0xFFFFF086  }
0x1c: {  	p1 =	slt.u32 s9, $0xF7A;
	s5 =	simm.s32 @!p2 $0x0  }
0x1d: {  	s5 =	simm.s32 @p1 $0x1;
	p0 =	seq.s32 s7, s2  }
0x1e: {  	s7 =	smul.u32 @!p0 $0xF7A, s2;
	p2 =	seq.s32 @!p0 s5, $0x0  }
0x1f: {  	s9 =	smul.u32 $0xF7A, s1;
	s8 =	simm.s32 @!p0 $0x1BF5;
	p2 =	por !p2, p0  }
0x20: {  	[sflag:s8] =	ssyncset.s32 @!p0 $0xFFFFF086;
	s6 =	sadd.s32 @!p0 s3, s7;
	s7 =	simm.s32 @!p0 $0x108  }
0x21: {  	s3 =	sadd.s32 s3, s9;
	s6 =	sadd.s32 @!p0 $0x88, s6;
	s7 =	simm.s32 @p2 $0x1082  }
0x22: {  	[simem:s7], [sflag:s8] =	dma.local @!p0 [hbm:s6], $0xF7A  }
0x23: {  	s9 =	sor.u32 $0xD0000000, s2;
	s6 =	simm.s32 $0x108;
	_ =	swait.ge @!p0 [sflag:s8], $0x0  }
0x24: {  	s3 =	sadd.s32 $0x88, s3;
	s6 =	simm.s32 @!p1 $0x1082;
	[sflag:s4] =	ssyncset.s32 $0xFFFFF086  }
0x25: {  	[simem:s6], [sflag:s4] =	dma.local [hbm:s3], $0xF7A  }
0x26: {  	[smem:$0x3F9D] =	sst s1;
	(tag) =	ssettag s2;
	_ =	strace s9  }
0x27: {  	s1 =	sld [smem:$0x3FAD]  }
0x28: {  	s2 =	sld [smem:$0x3FAE]  }
0x29: {  	s4 =	sld [smem:$0x3FB0]  }
0x2a: {  	p0 =	seq.s32 s5, $0x0;
	s5 =	sld [smem:$0x3FB1]  }
0x2b: {  	s6 =	sld [smem:$0x3FB2]  }
0x2c: {  	s7 =	sld [smem:$0x3FB3]  }
0x2d: {  	s3 =	simm.s32 $0x108;
	s8 =	sld [smem:$0x3FB4]  }
0x2e: {  	s3 =	simm.s32 @!p0 $0x1082;
	s9 =	sld [smem:$0x3FB5]  }
0x2f: {  	lr =	sadd.s32 s0, s3;
	s0 =	sld [smem:$0x3FAC]  }
0x30: {  	s3 =	sld [smem:$0x3FAF]  }
0x31: {  	[smem:$0x3FB8] =	sst s10  }
0x32: {  	s10 =	sld [smem:$0x3FB6];
	_ =	sdelay $0x3  }
0x33: {  	p0 =	seq.s32 s10, $0x1;
	s10 =	sld [smem:$0x3FB8];
	_ =	sdelay $0x3  }
0x34: {  	[smem:$0x3FB8] =	sst s10  }
0x35: {  	s10 =	sld [smem:$0x3FB7];
	_ =	sdelay $0x3  }
0x36: {  	p1 =	seq.s32 s10, $0x1;
	s10 =	sld [smem:$0x3FB8];
	_ =	sdelay $0x3  }
0x37: {  	[smem:$0x3FB8] =	sst s10  }
0x38: {  	s10 =	sld [smem:$0x3FB9]  }
0x39: {  	_ = 	snop;
	(pc) =	sbr.ind lr, $3  }
0x3a: {  	_ = 	snop  }
0x3b: {  	_ = 	snop  }
0x3c: {  	p2 =	seq.s32 s10, $0x1;
	s10 =	sld [smem:$0x3FB8]  }
0x3d: {  	_ =	shalt  }
0x3e: {  	_ =	shalt  }
0x3f: {  	_ =	shalt  }
0x40: {  	_ =	shalt  }
0x41: {  	_ =	shalt  }
0x42: {  	_ =	shalt  }
0x43: {  	_ =	shalt  }
0x44: {  	_ =	shalt  }
0x45: {  	_ =	shalt  }
0x46: {  	_ =	shalt  }
0x47: {  	_ =	shalt  }
0x48: {  	_ =	shalt  }
0x49: {  	_ =	shalt  }
0x4a: {  	_ =	shalt  }
0x4b: {  	_ =	shalt  }
0x4c: {  	_ =	shalt  }
0x4d: {  	_ =	shalt  }
0x4e: {  	_ =	shalt  }
0x4f: {  	_ =	shalt  }
0x50: {  	_ =	shalt  }
0x51: {  	_ =	shalt  }
0x52: {  	_ =	shalt  }
0x53: {  	_ =	shalt  }
0x54: {  	_ =	shalt  }
0x55: {  	_ =	shalt  }
0x56: {  	_ =	shalt  }
0x57: {  	_ =	shalt  }
0x58: {  	_ =	shalt  }
0x59: {  	_ =	shalt  }
0x5a: {  	_ =	shalt  }
0x5b: {  	_ =	shalt  }
0x5c: {  	_ =	shalt  }
0x5d: {  	_ =	shalt  }
0x5e: {  	_ =	shalt  }
0x5f: {  	_ =	shalt  }
0x60: {  	_ =	shalt  }
0x61: {  	_ =	shalt  }
0x62: {  	_ =	shalt  }
0x63: {  	_ =	shalt  }
0x64: {  	_ =	shalt  }
0x65: {  	_ =	shalt  }
0x66: {  	_ =	shalt  }
0x67: {  	_ =	shalt  }
0x68: {  	_ =	shalt  }
0x69: {  	_ =	shalt  }
0x6a: {  	_ =	shalt  }
0x6b: {  	_ =	shalt  }
0x6c: {  	_ =	shalt  }
0x6d: {  	_ =	shalt  }
0x6e: {  	_ =	shalt  }
0x6f: {  	_ =	shalt  }
0x70: {  	_ =	shalt  }
0x71: {  	_ =	shalt  }
0x72: {  	_ =	shalt  }
0x73: {  	_ =	shalt  }
0x74: {  	_ =	shalt  }
0x75: {  	_ =	shalt  }
0x76: {  	_ =	shalt  }
0x77: {  	_ =	shalt  }
0x78: {  	_ =	shalt  }
0x79: {  	_ =	shalt  }
0x7a: {  	_ =	shalt  }
0x7b: {  	_ =	shalt  }
0x7c: {  	_ =	shalt  }
0x7d: {  	_ =	shalt  }
0x7e: {  	_ =	shalt  }
0x7f: {  	_ =	shalt  }
0x80: {  	_ =	shalt  }
0x81: {  	_ =	shalt  }
0x82: {  	_ =	shalt  }
0x83: {  	_ =	shalt  }
0x84: {  	_ =	shalt  }
0x85: {  	_ =	shalt  }
0x86: {  	_ =	shalt  }
0x87: {  	_ =	shalt  }
.Lfunc_end0:
.L_simem_size_0:
called_computation_lowered:
.L_overlay_start_0:
0x88: {  	s2 =	sld [smem:$0x3FD9]  }
0x89: {  	s3 =	sld [smem:$0x3FFE];
	_ =	sdelay $0x1  }
0x8a: {  	s1 =	srdreg.scid  }
0x8b: {  	s0 =	sand.u32 $0x1, s1  }
0x8c: {  	s17 =	sshll.u32 s0, $0xA;
	s2 =	sadd.s32 s3, s2  }
0x8d: {  	s2 =	sadd.s32 s2, s17  }
0x8e: {  	[smem:$0x3FC4] =	sst s2  }
0x8f: {  	_ = 	snop  }
0x90: {  	s2 =	sld [smem:$0x3FC9]  }
0x91: {  	s18 =	sld [smem:$0x3FD0];
	(tm) =	ssettm $0x1  }
0x92: {  	s4 =	sld [smem:$0x3FFB];
	_ =	sdelay $0x3  }
0x93: {  	_ =	strace s4  }
0x94: {  	s4 =	sld [smem:$0x3FFC];
	_ =	sdelay $0x3  }
0x95: {  	_ =	strace s4  }
0x96: {  	s4 =	sld [smem:$0x3FFD];
	_ =	sdelay $0x3  }
0x97: {  	_ =	strace s4  }
0x98: {  	_ =	strace $0x8FFFFFFF  }
0x99: {  	s19 =	sld [smem:$0x3FDB];
	_ =	sdelay $0x1  }
0x9a: {  	s5 =	simm.s32 $_scs_section_size  }
0x9b: {  	s6 =	simm.s32 $_size__tile_overlayer_lowered;
	s7 =	simm.s32 $_tile_overlayer_lowered  }
0x9c: {  	s22 =	simm.s32 $0x1BFF;
	s21 =	sshll.u32 s7, $0x1;
	s4 =	sadd.s32 s5, s19  }
0x9d: {  	s8 =	simm.s32 $0x0;
	s20 =	sshll.u32 s6, $0x1;
	s6 =	sadd.s32 s21, s4  }
0x9e: {  	[timem:s8], [sflag:s22] =	dma.local [hbm:s6], s20  }
0x9f: {  	_ =	swait.ge [sflag:s22], s20  }
0xa0: {  	s5 =	ssub.s32 $0x0, s20;
	[sflag:s22] =	ssyncset.done $0x0  }
0xa1: {  	[sflag:s22] =	ssyncadd.s32 s5;
	_ =	sdelay $0x1  }
0xa2: {  	s23 =	simm.s32 $0x1B8B  }
0xa3: {  	_ =	swait.ge [sflag:s23], $0x1  }
0xa4: {  	[sflag:s23] =	ssyncset.done $0x0  }
0xa5: {  	s25 =	simm.s32 $0x1B8E;
	s24 =	sld [smem:$0x3FFE];
	[sflag:s23] =	ssyncadd.s32 $0xFFFFFFFF  }
0xa6: {  	s26 =	simm.s32 $execute0_lowered;
	[smem:$0x3FD2] =	sst s25  }
0xa7: {  	s6 =	sshll.u32 s26, $0x1;
	_ =	strace $0x80000046;
	[dreg:$0x1] =	wrdreg $0xFFFFFFFF  }
0xa8: {  	s28 =	simm.s32 $_size_execute0_lowered;
	s4 =	sadd.s32 s4, s6;
	[dreg:$0x0] =	wrdreg $0x0  }
0xa9: {  	s6 =	sshll.u32 s28, $0x1;
	[dreg:$0x2] =	wrdreg s4  }
0xaa: {  	[dreg:$0x3] =	wrdreg s6  }
0xab: {  	[dreg:$0x4] =	wrdreg $0xC0  }
0xac: {  	_ =	task [dreg:s8], $0x5FFFF  }
0xad: {  	[dreg:$0x1] =	wrdreg $0xFFFFFFFF  }
0xae: {  	[dreg:$0x0] =	wrdreg $0x60  }
0xaf: {  	[dreg:$0x2] =	wrdreg s2  }
0xb0: {  	[dreg:$0x3] =	wrdreg s24  }
0xb1: {  	[dreg:$0x4] =	wrdreg s18  }
0xb2: {  	[dreg:$0x5] =	wrdreg $0x9  }
0xb3: {  	_ =	task.clear_ibuf [dreg:s8], $0x6FFFF;
	_ =	strace $0x90000046  }
0xb4: {  	s29 =	simm.s32 $0x9;
	_ =	strace $0x80000048  }
0xb5: {  	_ =	swait.ge [sflag:s29], $0x1  }
0xb6: {  	[sflag:s29] =	ssyncadd.s32 $0xFFFFFFFF  }
0xb7: {  	_ =	strace $0x90000048  }
0xb8: {  	_ =	sfence  }
0xb9: {  	s30 =	sld [smem:$0x0];
	_ =	sdelay $0x2  }
0xba: {  	s31 =	sshll.u32 s1, $0xD;
	s1 =	sshrl.u32 s1, $0x2  }
0xbb: {  	s3 =	sand.u32 $0x4000, s31;
	s1 =	sadd.s32 s1, s30  }
0xbc: {  	s0 =	sor.u32 s3, s0;
	s1 =	sshll.u32 s1, $0x11  }
0xbd: {  	s0 =	sor.u32 s1, s0  }
0xbe: {  	s0 =	sadd.s32 $0x8F2B, s0  }
0xbf: {  	[sflag:s0] =	ssyncadd.remote.s32 $0x1  }
0xc0: {  	_ =	sfence.sel $0xFFFF  }
0xc1: {  	[dreg:$0x0] =	wrdreg $0xFFFFFFFF;
	(pc) =	sbr.abs _section_cstart, $3  }
0xc2: {  	[dreg:$0x1] =	wrdreg $0xFFFFFFFF  }
0xc3: {  	_ =	task.clear_ibuf [dreg:s8], $0x2FFFF;
	_ =	strace $0x9FFFFFFF  }
0xc4: {  	(tm) =	ssettm $0x7FFFFFFF  }
0xc5: {  	_ =	shalt  }
tec
execute0_lowered:
.L_overlay_start_1:
0x0: {  	(tag) =	ssettag $0x1  }
0x1: {  	s5 =	rddreg [dreg:$0x0]  }
0x2: {  	s4 =	rddreg [dreg:$0x1]  }
0x3: {  	s6 =	rddreg [dreg:$0x2]  }
0x4: {  	s0 =	rddreg [dreg:$0x3];
	s1 =	simm.s32 $0x0  }
0x5: {  	s7 =	srdreg.scid;
	s2 =	stileid.u32;
	s11 =	simm.s32 $0x200  }
0x6: {  	s12 =	simm.s32 $0x600;
	s13 =	simm.s32 $0x280;
	s14 =	simm.s32 $0x4600  }
0x7: {  	s15 =	simm.s32 $0x300;
	s16 =	simm.s32 $0x8600;
	s17 =	simm.s32 $0x380  }
0x8: {  	s18 =	simm.s32 $0xC600;
	s19 =	simm.s32 $0x1;
	s20 =	simm.s32 $0x2  }
0x9: {  	s21 =	simm.s32 $0x3;
	s22 =	simm.s32 $0x4;
	s23 =	simm.s32 $0x10600  }
0xa: {  	s24 =	simm.s32 $0x0;
	[smem:$0x7FF] =	sst s1;
	s3 =	sadd.s32 $0x800, s4  }
0xb: {  	s7 =	sand.u32 $0x1, s7;
	s9 =	sshll.u32 s2, $0x7;
	s4 =	sadd.s32 $0x20800, s4  }
0xc: {  	_ =	strace $0x80000047;
	s8 =	ssub.s32 $0x2, s7;
	s7 =	sshll.u32 s7, $0x6  }
0xd: {  	s10 =	sshrl.u32 s8, $0x1;
	s7 =	sor.u32 s7, s9;
	s9 =	simm.s32 $0x5  }
0xe: {  	v0 =	vlaneseq.u32;
	s8 =	ssub.s32 s8, s10;
	s5 =	sadd.s32 s5, s7;
	s6 =	sadd.s32 s6, s7  }
0xf: {  	v0 =	vmul.u32 $0x80, v0;
	s10 =	simm.s32 $0x80;
	s7 =	smax.u32 s8, $0x1;
	s8 =	simm.s32 $0x10800  }
.LBB2_1:
0x10: {  	[tilespmem:s8], [sflag:$0x5] =	stream.linear.gather [hbm4b:s4+s1], $0x80, $0x38;
	[tilespmem:$0x10880] =	vst v63  }
0x11: {  	_ =	swait.ge [sflag:s9], $0x80  }
0x12: {  	[sflag:s9] =	ssyncset.done $0x0  }
0x13: {  	[sflag:s9] =	ssyncadd.s32 $0xFFFFFF80  }
0x14: {  	[tilespmem:s1], [sflag:$0x5] =	stream.linear.gather [hbm4b:s5+s1], $0x200, $0x38;
	[tilespmem:$0x10880] =	vst v63  }
0x15: {  	_ =	swait.ge [sflag:s9], $0x200  }
0x16: {  	[sflag:s9] =	ssyncset.done $0x0  }
0x17: {  	[sflag:s9] =	ssyncadd.s32 $0xFFFFFE00  }
0x18: {  	v1 =	vld [tilespmem:$0x0];
	_ =	sdelay $0x1  }
0x19: {  	v2 =	vld [tilespmem:$0x10];
	_ =	sdelay $0x1  }
0x1a: {  	v3 =	vld [tilespmem:$0x20]  }
0x1b: {  	v4 =	vshrl.u32 v1, $0x7  }
0x1c: {  	v53 =	vld [tilespmem:$0x30];
	v1 =	vand.u32 $0x7F, v1;
	[tilespmem:$0x200] =	vst v4  }
0x1d: {  	[tilespmem:$0x400] =	vst v1;
	v1 =	vshrl.u32 v2, $0x7  }
0x1e: {  	[tilespmem:$0x210] =	vst v1;
	v1 =	vand.u32 $0x7F, v2;
	v2 =	vld [tilespmem:$0x40]  }
0x1f: {  	[tilespmem:$0x410] =	vst v1;
	v1 =	vshrl.u32 v3, $0x7  }
0x20: {  	[tilespmem:$0x220] =	vst v1;
	v1 =	vand.u32 $0x7F, v3;
	v3 =	vld [tilespmem:$0x50]  }
0x21: {  	[tilespmem:$0x420] =	vst v1;
	v1 =	vshrl.u32 v53, $0x7  }
0x22: {  	v54 =	vld [tilespmem:$0x60];
	[tilespmem:$0x230] =	vst v1;
	v1 =	vand.u32 $0x7F, v53  }
0x23: {  	[tilespmem:$0x430] =	vst v1;
	v1 =	vshrl.u32 v2, $0x7  }
0x24: {  	[tilespmem:$0x240] =	vst v1;
	v1 =	vand.u32 $0x7F, v2;
	v2 =	vld [tilespmem:$0x70]  }
0x25: {  	[tilespmem:$0x440] =	vst v1;
	v1 =	vshrl.u32 v3, $0x7  }
0x26: {  	[tilespmem:$0x250] =	vst v1;
	v1 =	vand.u32 $0x7F, v3;
	v3 =	vld [tilespmem:$0x80]  }
0x27: {  	[tilespmem:$0x450] =	vst v1;
	v1 =	vshrl.u32 v54, $0x7  }
0x28: {  	v55 =	vld [tilespmem:$0x90];
	[tilespmem:$0x260] =	vst v1;
	v1 =	vand.u32 $0x7F, v54  }
0x29: {  	[tilespmem:$0x460] =	vst v1;
	v1 =	vshrl.u32 v2, $0x7  }
0x2a: {  	[tilespmem:$0x270] =	vst v1;
	v1 =	vand.u32 $0x7F, v2;
	v2 =	vld [tilespmem:$0xA0]  }
0x2b: {  	[tilespmem:$0x470] =	vst v1;
	v1 =	vshrl.u32 v3, $0x7  }
0x2c: {  	[tilespmem:$0x280] =	vst v1;
	v1 =	vand.u32 $0x7F, v3;
	v3 =	vld [tilespmem:$0xB0]  }
0x2d: {  	[tilespmem:$0x480] =	vst v1;
	v1 =	vshrl.u32 v55, $0x7  }
0x2e: {  	v56 =	vld [tilespmem:$0xC0];
	[tilespmem:$0x290] =	vst v1;
	v1 =	vand.u32 $0x7F, v55  }
0x2f: {  	[tilespmem:$0x490] =	vst v1;
	v1 =	vshrl.u32 v2, $0x7  }
0x30: {  	[tilespmem:$0x2A0] =	vst v1;
	v1 =	vand.u32 $0x7F, v2;
	v2 =	vld [tilespmem:$0xD0]  }
0x31: {  	[tilespmem:$0x4A0] =	vst v1;
	v1 =	vshrl.u32 v3, $0x7  }
0x32: {  	[tilespmem:$0x2B0] =	vst v1;
	v1 =	vand.u32 $0x7F, v3;
	v3 =	vld [tilespmem:$0xE0]  }
0x33: {  	[tilespmem:$0x4B0] =	vst v1;
	v1 =	vshrl.u32 v56, $0x7  }
0x34: {  	v57 =	vld [tilespmem:$0xF0];
	[tilespmem:$0x2C0] =	vst v1;
	v1 =	vand.u32 $0x7F, v56  }
0x35: {  	[tilespmem:$0x4C0] =	vst v1;
	v1 =	vshrl.u32 v2, $0x7  }
0x36: {  	[tilespmem:$0x2D0] =	vst v1;
	v1 =	vand.u32 $0x7F, v2;
	v2 =	vld [tilespmem:$0x100]  }
0x37: {  	[tilespmem:$0x4D0] =	vst v1;
	v1 =	vshrl.u32 v3, $0x7  }
0x38: {  	[tilespmem:$0x2E0] =	vst v1;
	v1 =	vand.u32 $0x7F, v3;
	v3 =	vld [tilespmem:$0x110]  }
0x39: {  	[tilespmem:$0x4E0] =	vst v1;
	v1 =	vshrl.u32 v57, $0x7  }
0x3a: {  	v58 =	vld [tilespmem:$0x120];
	[tilespmem:$0x2F0] =	vst v1;
	v1 =	vand.u32 $0x7F, v57  }
0x3b: {  	[tilespmem:$0x4F0] =	vst v1;
	v1 =	vshrl.u32 v2, $0x7  }
0x3c: {  	[tilespmem:$0x300] =	vst v1;
	v1 =	vand.u32 $0x7F, v2;
	v2 =	vld [tilespmem:$0x130]  }
0x3d: {  	[tilespmem:$0x500] =	vst v1;
	v1 =	vshrl.u32 v3, $0x7  }
0x3e: {  	[tilespmem:$0x310] =	vst v1;
	v1 =	vand.u32 $0x7F, v3;
	v3 =	vld [tilespmem:$0x140]  }
0x3f: {  	[tilespmem:$0x510] =	vst v1;
	v1 =	vshrl.u32 v58, $0x7  }
0x40: {  	v59 =	vld [tilespmem:$0x150];
	[tilespmem:$0x320] =	vst v1;
	v1 =	vand.u32 $0x7F, v58  }
0x41: {  	[tilespmem:$0x520] =	vst v1;
	v1 =	vshrl.u32 v2, $0x7  }
0x42: {  	[tilespmem:$0x330] =	vst v1;
	v1 =	vand.u32 $0x7F, v2;
	v2 =	vld [tilespmem:$0x160]  }
0x43: {  	[tilespmem:$0x530] =	vst v1;
	v1 =	vshrl.u32 v3, $0x7  }
0x44: {  	[tilespmem:$0x340] =	vst v1;
	v1 =	vand.u32 $0x7F, v3;
	v3 =	vld [tilespmem:$0x170]  }
0x45: {  	[tilespmem:$0x540] =	vst v1;
	v1 =	vshrl.u32 v59, $0x7  }
0x46: {  	v60 =	vld [tilespmem:$0x180];
	[tilespmem:$0x350] =	vst v1;
	v1 =	vand.u32 $0x7F, v59  }
0x47: {  	[tilespmem:$0x550] =	vst v1;
	v1 =	vshrl.u32 v2, $0x7  }
0x48: {  	[tilespmem:$0x360] =	vst v1;
	v1 =	vand.u32 $0x7F, v2;
	v2 =	vld [tilespmem:$0x190]  }
0x49: {  	[tilespmem:$0x560] =	vst v1;
	v1 =	vshrl.u32 v3, $0x7  }
0x4a: {  	[tilespmem:$0x370] =	vst v1;
	v1 =	vand.u32 $0x7F, v3;
	v3 =	vld [tilespmem:$0x1A0]  }
0x4b: {  	[tilespmem:$0x570] =	vst v1;
	v1 =	vshrl.u32 v60, $0x7  }
0x4c: {  	v61 =	vld [tilespmem:$0x1B0];
	[tilespmem:$0x380] =	vst v1;
	v1 =	vand.u32 $0x7F, v60  }
0x4d: {  	[tilespmem:$0x580] =	vst v1;
	v1 =	vshrl.u32 v2, $0x7  }
0x4e: {  	[tilespmem:$0x390] =	vst v1;
	v1 =	vand.u32 $0x7F, v2;
	v2 =	vld [tilespmem:$0x1C0]  }
0x4f: {  	[tilespmem:$0x590] =	vst v1;
	v1 =	vshrl.u32 v3, $0x7  }
0x50: {  	[tilespmem:$0x3A0] =	vst v1;
	v1 =	vand.u32 $0x7F, v3;
	v3 =	vld [tilespmem:$0x1D0]  }
0x51: {  	[tilespmem:$0x5A0] =	vst v1;
	v1 =	vshrl.u32 v61, $0x7  }
0x52: {  	v62 =	vld [tilespmem:$0x1E0];
	[tilespmem:$0x3B0] =	vst v1;
	v1 =	vand.u32 $0x7F, v61  }
0x53: {  	[tilespmem:$0x5B0] =	vst v1;
	v1 =	vshrl.u32 v2, $0x7  }
0x54: {  	[tilespmem:$0x3C0] =	vst v1;
	v1 =	vand.u32 $0x7F, v2;
	v2 =	vld [tilespmem:$0x1F0]  }
0x55: {  	[tilespmem:$0x5C0] =	vst v1;
	v1 =	vshrl.u32 v3, $0x7  }
0x56: {  	[tilespmem:$0x3D0] =	vst v1;
	v1 =	vand.u32 $0x7F, v3  }
0x57: {  	[tilespmem:$0x5D0] =	vst v1;
	v1 =	vshrl.u32 v62, $0x7  }
0x58: {  	[tilespmem:$0x3E0] =	vst v1;
	v1 =	vand.u32 $0x7F, v62  }
0x59: {  	[tilespmem:$0x5E0] =	vst v1;
	v1 =	vshrl.u32 v2, $0x7  }
0x5a: {  	[tilespmem:$0x3F0] =	vst v1;
	v1 =	vand.u32 $0x7F, v2  }
0x5b: {  	[tilespmem:$0x5F0] =	vst v1  }
0x5c: {  	[tilespmem:s12], [sflag:$0x1] =	stream.indirect.gather [hbm4b:s3+s10], $0x80, s11, s10, $0xb8;
	[tilespmem:$0x10880] =	vst v63  }
0x5d: {  	_ = 	snop  }
0x5e: {  	[tilespmem:s14], [sflag:$0x2] =	stream.indirect.gather [hbm4b:s3+s10], $0x80, s13, s10, $0xb8;
	[tilespmem:$0x10880] =	vst v63  }
0x5f: {  	_ = 	snop  }
0x60: {  	[tilespmem:s16], [sflag:$0x3] =	stream.indirect.gather [hbm4b:s3+s10], $0x80, s15, s10, $0xb8;
	[tilespmem:$0x10880] =	vst v63  }
0x61: {  	_ = 	snop  }
0x62: {  	[tilespmem:s18], [sflag:$0x4] =	stream.indirect.gather [hbm4b:s3+s10], $0x80, s17, s10, $0xb8;
	[tilespmem:$0x10880] =	vst v63  }
0x63: {  	v1 =	vld.msk [tilespmem:$0x10800 ss:$0x0], $0xffff;
	_ =	swait.ge [sflag:s19], $0x4000  }
0x64: {  	[sflag:s19] =	ssyncset.done $0x0  }
0x65: {  	s25 =	simm.s32 $0x400;
	[sflag:s19] =	ssyncadd.s32 $0xFFFFC000  }
0x66: {  	v2 =	vld [tilespmem:s25+$0x0];
	_ =	sdelay $0x2  }
0x67: {  	v3 =	vmov s1  }
0x68: {  	v3 =	vshll.u32 v3, $0x7  }
0x69: {  	v3 =	vor.u32 v0, v3;
	v63 =	vand.u32 $0xFFFFFF80, v2  }
0x6a: {  	v2 =	vand.u32 $0x7F, v2;
	v3 =	vadd.s32 v3, v63  }
0x6b: {  	v2 =	vor.u32 v2, v3;
	_ =	sdelay $0x4  }
0x6c: {  	v2 =	vld.idx.msk [tilespmem:v2+s12+$0x0], $0xffff;
	_ =	sdelay $0x4  }
0x6d: {  	v2 =	vadd.f32 v2, v1;
	_ =	sdelay $0x1  }
0x6e: {  	s26 =	simm.s32 $0x410;
	[tilespmem:s23+$0x0] =	vst v2  }
0x6f: {  	s28 =	simm.s32 $0x10;
	s29 =	simm.s32 $0x20;
	s25 =	simm.s32 $0x10600;
	v2 =	vld [tilespmem:s26+$0x0]  }
.LBB2_2:
0x70: {  	p0 =	sne.s32 s29, $0x70;
	_ =	sdelay $0x1  }
0x71: {  	v3 =	vmov s28;
	s28 =	smov.u32 s29  }
0x72: {  	v3 =	vshll.u32 v3, $0x7  }
0x73: {  	v3 =	vor.u32 v0, v3;
	v4 =	vand.u32 $0xFFFFFF80, v2  }
0x74: {  	v2 =	vand.u32 $0x7F, v2;
	v3 =	vadd.s32 v3, v4  }
0x75: {  	v2 =	vor.u32 v2, v3;
	_ =	sdelay $0x4  }
0x76: {  	v2 =	vld.idx.msk [tilespmem:v2+s12+$0x0], $0xffff;
	_ =	sdelay $0x4  }
.Ltmp0:
0x77: {  	(pc) =	sbr.rel @p0 .LBB2_2-.Ltmp0, $4  }
0x78: {  	v2 =	vadd.f32 v2, v1  }
0x79: {  	s25 =	sadd.s32 $0x10, s25  }
0x7a: {  	s26 =	sadd.s32 $0x10, s26;
	[tilespmem:s25+$0x0] =	vst v2  }
0x7b: {  	s29 =	sadd.s32 $0x10, s29;
	v2 =	vld [tilespmem:s26+$0x0]  }
0x7c: {  	_ =	sdelay $0x1  }
0x7d: {  	v3 =	vmov s28  }
0x7e: {  	v3 =	vshll.u32 v3, $0x7  }
0x7f: {  	v3 =	vor.u32 v0, v3;
	v4 =	vand.u32 $0xFFFFFF80, v2  }
0x80: {  	v2 =	vand.u32 $0x7F, v2;
	v3 =	vadd.s32 v3, v4  }
0x81: {  	v2 =	vor.u32 v2, v3;
	_ =	sdelay $0x4  }
0x82: {  	v2 =	vld.idx.msk [tilespmem:v2+s12+$0x0], $0xffff;
	_ =	sdelay $0x4  }
0x83: {  	v2 =	vadd.f32 v2, v1  }
0x84: {  	s25 =	sadd.s32 $0x10, s25  }
0x85: {  	[tilespmem:s25+$0x0] =	vst v2  }
0x86: {  	_ =	swait.ge [sflag:s20], $0x4000  }
0x87: {  	[sflag:s20] =	ssyncset.done $0x0  }
0x88: {  	s30 =	simm.s32 $0x480;
	[sflag:s20] =	ssyncadd.s32 $0xFFFFC000  }
0x89: {  	v2 =	vld [tilespmem:s30+$0x0];
	_ =	sdelay $0x1  }
0x8a: {  	s31 =	simm.s32 $0x80  }
0x8b: {  	v3 =	vmov s31  }
0x8c: {  	v3 =	vshll.u32 v3, $0x7  }
0x8d: {  	v3 =	vor.u32 v0, v3;
	v63 =	vand.u32 $0xFFFFFF80, v2  }
0x8e: {  	v2 =	vand.u32 $0x7F, v2;
	v3 =	vadd.s32 v3, v63  }
0x8f: {  	v2 =	vor.u32 v2, v3;
	_ =	sdelay $0x4  }
0x90: {  	v2 =	vld.idx.msk [tilespmem:v2+s12+$0x0], $0xffff;
	_ =	sdelay $0x4  }
0x91: {  	v2 =	vadd.f32 v2, v1  }
0x92: {  	s25 =	simm.s32 $0x10680  }
0x93: {  	s26 =	simm.s32 $0x490;
	[tilespmem:s25+$0x0] =	vst v2  }
0x94: {  	s28 =	simm.s32 $0x90;
	s29 =	simm.s32 $0xA0;
	v2 =	vld [tilespmem:s26+$0x0]  }
.LBB2_4:
0x95: {  	p0 =	sne.s32 s29, $0xF0;
	_ =	sdelay $0x1  }
0x96: {  	v3 =	vmov s28;
	s28 =	smov.u32 s29  }
0x97: {  	v3 =	vshll.u32 v3, $0x7  }
0x98: {  	v3 =	vor.u32 v0, v3;
	v4 =	vand.u32 $0xFFFFFF80, v2  }
0x99: {  	v2 =	vand.u32 $0x7F, v2;
	v3 =	vadd.s32 v3, v4  }
0x9a: {  	v2 =	vor.u32 v2, v3;
	_ =	sdelay $0x4  }
0x9b: {  	v2 =	vld.idx.msk [tilespmem:v2+s12+$0x0], $0xffff;
	_ =	sdelay $0x4  }
.Ltmp1:
0x9c: {  	(pc) =	sbr.rel @p0 .LBB2_4-.Ltmp1, $4  }
0x9d: {  	v2 =	vadd.f32 v2, v1  }
0x9e: {  	s25 =	sadd.s32 $0x10, s25  }
0x9f: {  	s26 =	sadd.s32 $0x10, s26;
	[tilespmem:s25+$0x0] =	vst v2  }
0xa0: {  	s29 =	sadd.s32 $0x10, s29;
	v2 =	vld [tilespmem:s26+$0x0]  }
0xa1: {  	_ =	sdelay $0x1  }
0xa2: {  	v3 =	vmov s28  }
0xa3: {  	v3 =	vshll.u32 v3, $0x7  }
0xa4: {  	v3 =	vor.u32 v0, v3;
	v4 =	vand.u32 $0xFFFFFF80, v2  }
0xa5: {  	v2 =	vand.u32 $0x7F, v2;
	v3 =	vadd.s32 v3, v4  }
0xa6: {  	v2 =	vor.u32 v2, v3;
	_ =	sdelay $0x4  }
0xa7: {  	v2 =	vld.idx.msk [tilespmem:v2+s12+$0x0], $0xffff;
	_ =	sdelay $0x4  }
0xa8: {  	v2 =	vadd.f32 v2, v1  }
0xa9: {  	s25 =	sadd.s32 $0x10, s25  }
0xaa: {  	[tilespmem:s25+$0x0] =	vst v2  }
0xab: {  	_ =	swait.ge [sflag:s21], $0x4000  }
0xac: {  	[sflag:s21] =	ssyncset.done $0x0  }
0xad: {  	s30 =	simm.s32 $0x500;
	[sflag:s21] =	ssyncadd.s32 $0xFFFFC000  }
0xae: {  	v2 =	vld [tilespmem:s30+$0x0];
	_ =	sdelay $0x1  }
0xaf: {  	s31 =	simm.s32 $0x100  }
0xb0: {  	v3 =	vmov s31  }
0xb1: {  	v3 =	vshll.u32 v3, $0x7  }
0xb2: {  	v3 =	vor.u32 v0, v3;
	v63 =	vand.u32 $0xFFFFFF80, v2  }
0xb3: {  	v2 =	vand.u32 $0x7F, v2;
	v3 =	vadd.s32 v3, v63  }
0xb4: {  	v2 =	vor.u32 v2, v3;
	_ =	sdelay $0x4  }
0xb5: {  	v2 =	vld.idx.msk [tilespmem:v2+s12+$0x0], $0xffff;
	_ =	sdelay $0x4  }
0xb6: {  	v2 =	vadd.f32 v2, v1  }
0xb7: {  	s25 =	simm.s32 $0x10700  }
0xb8: {  	s26 =	simm.s32 $0x510;
	[tilespmem:s25+$0x0] =	vst v2  }
0xb9: {  	s28 =	simm.s32 $0x110;
	s29 =	simm.s32 $0x120;
	v2 =	vld [tilespmem:s26+$0x0]  }
.LBB2_6:
0xba: {  	p0 =	sne.s32 s29, $0x170;
	_ =	sdelay $0x1  }
0xbb: {  	v3 =	vmov s28;
	s28 =	smov.u32 s29  }
0xbc: {  	v3 =	vshll.u32 v3, $0x7  }
0xbd: {  	v3 =	vor.u32 v0, v3;
	v4 =	vand.u32 $0xFFFFFF80, v2  }
0xbe: {  	v2 =	vand.u32 $0x7F, v2;
	v3 =	vadd.s32 v3, v4  }
0xbf: {  	v2 =	vor.u32 v2, v3;
	_ =	sdelay $0x4  }
0xc0: {  	v2 =	vld.idx.msk [tilespmem:v2+s12+$0x0], $0xffff;
	_ =	sdelay $0x4  }
.Ltmp2:
0xc1: {  	(pc) =	sbr.rel @p0 .LBB2_6-.Ltmp2, $4  }
0xc2: {  	v2 =	vadd.f32 v2, v1  }
0xc3: {  	s25 =	sadd.s32 $0x10, s25  }
0xc4: {  	s26 =	sadd.s32 $0x10, s26;
	[tilespmem:s25+$0x0] =	vst v2  }
0xc5: {  	s29 =	sadd.s32 $0x10, s29;
	v2 =	vld [tilespmem:s26+$0x0]  }
0xc6: {  	_ =	sdelay $0x1  }
0xc7: {  	v3 =	vmov s28  }
0xc8: {  	v3 =	vshll.u32 v3, $0x7  }
0xc9: {  	v3 =	vor.u32 v0, v3;
	v4 =	vand.u32 $0xFFFFFF80, v2  }
0xca: {  	v2 =	vand.u32 $0x7F, v2;
	v3 =	vadd.s32 v3, v4  }
0xcb: {  	v2 =	vor.u32 v2, v3;
	_ =	sdelay $0x4  }
0xcc: {  	v2 =	vld.idx.msk [tilespmem:v2+s12+$0x0], $0xffff;
	_ =	sdelay $0x4  }
0xcd: {  	v2 =	vadd.f32 v2, v1  }
0xce: {  	s25 =	sadd.s32 $0x10, s25  }
0xcf: {  	[tilespmem:s25+$0x0] =	vst v2  }
0xd0: {  	_ =	swait.ge [sflag:s22], $0x4000  }
0xd1: {  	[sflag:s22] =	ssyncset.done $0x0  }
0xd2: {  	s30 =	simm.s32 $0x580;
	[sflag:s22] =	ssyncadd.s32 $0xFFFFC000  }
0xd3: {  	v2 =	vld [tilespmem:s30+$0x0];
	_ =	sdelay $0x1  }
0xd4: {  	s31 =	simm.s32 $0x180  }
0xd5: {  	v3 =	vmov s31  }
0xd6: {  	v3 =	vshll.u32 v3, $0x7  }
0xd7: {  	v3 =	vor.u32 v0, v3;
	v63 =	vand.u32 $0xFFFFFF80, v2  }
0xd8: {  	v2 =	vand.u32 $0x7F, v2;
	v3 =	vadd.s32 v3, v63  }
0xd9: {  	v2 =	vor.u32 v2, v3;
	_ =	sdelay $0x4  }
0xda: {  	v2 =	vld.idx.msk [tilespmem:v2+s12+$0x0], $0xffff;
	_ =	sdelay $0x4  }
0xdb: {  	v2 =	vadd.f32 v2, v1  }
0xdc: {  	s25 =	simm.s32 $0x10780  }
0xdd: {  	s26 =	simm.s32 $0x590;
	[tilespmem:s25+$0x0] =	vst v2  }
0xde: {  	s28 =	simm.s32 $0x190;
	s29 =	simm.s32 $0x1A0;
	v2 =	vld [tilespmem:s26+$0x0]  }
.LBB2_8:
0xdf: {  	p0 =	sne.s32 s29, $0x1F0;
	_ =	sdelay $0x1  }
0xe0: {  	v3 =	vmov s28;
	s28 =	smov.u32 s29  }
0xe1: {  	v3 =	vshll.u32 v3, $0x7  }
0xe2: {  	v3 =	vor.u32 v0, v3;
	v4 =	vand.u32 $0xFFFFFF80, v2  }
0xe3: {  	v2 =	vand.u32 $0x7F, v2;
	v3 =	vadd.s32 v3, v4  }
0xe4: {  	v2 =	vor.u32 v2, v3;
	_ =	sdelay $0x4  }
0xe5: {  	v2 =	vld.idx.msk [tilespmem:v2+s12+$0x0], $0xffff;
	_ =	sdelay $0x4  }
.Ltmp3:
0xe6: {  	(pc) =	sbr.rel @p0 .LBB2_8-.Ltmp3, $4  }
0xe7: {  	v2 =	vadd.f32 v2, v1  }
0xe8: {  	s25 =	sadd.s32 $0x10, s25  }
0xe9: {  	s26 =	sadd.s32 $0x10, s26;
	[tilespmem:s25+$0x0] =	vst v2  }
0xea: {  	s29 =	sadd.s32 $0x10, s29;
	v2 =	vld [tilespmem:s26+$0x0]  }
0xeb: {  	_ =	sdelay $0x1  }
0xec: {  	v3 =	vmov s28  }
0xed: {  	v3 =	vshll.u32 v3, $0x7  }
0xee: {  	v3 =	vor.u32 v0, v3;
	v4 =	vand.u32 $0xFFFFFF80, v2  }
0xef: {  	v2 =	vand.u32 $0x7F, v2;
	v3 =	vadd.s32 v3, v4  }
0xf0: {  	v2 =	vor.u32 v2, v3;
	_ =	sdelay $0x4  }
0xf1: {  	v2 =	vld.idx.msk [tilespmem:v2+s12+$0x0], $0xffff;
	_ =	sdelay $0x4  }
0xf2: {  	s24 =	sadd.s32 $0x1, s24;
	v1 =	vadd.f32 v2, v1  }
0xf3: {  	s25 =	sadd.s32 $0x10, s25;
	p0 =	sne.s32 s24, s7  }
.Ltmp4:
0xf4: {  	[tilespmem:s25+$0x0] =	vst v1;
	(pc) =	sbr.rel @p0 .LBB2_1-.Ltmp4, $4  }
0xf5: {  	[hbm4b:s6+s1] =	stream.linear.scatter [tilespmem:s23], [sflag:$0x5], $0x200, $0x38;
	[tilespmem:$0x10880] =	vst v63  }
0xf6: {  	_ =	swait.ge [sflag:s9], $0x200  }
0xf7: {  	[sflag:s9] =	ssyncset.done $0x0  }
0xf8: {  	[sflag:s9] =	ssyncadd.s32 $0xFFFFFE00  }
0xf9: {  	_ =	sfence.sel $0x180000  }
0xfa: {  	[bflag:$0x0] =	sbarrier.arrive $0xFFFF  }
0xfb: {  	p0 =	sne.s32 s2, $0x0;
	_ =	strace $0x90000047  }
0xfc: {  	s0 =	sadd.s32 @!p0 $0x100000, s0;
	[bflag:$0x2] =	sbarrier.arrive $0xFFFF  }
0xfd: {  	[sflag:s0] =	ssyncadd.tile.s32 @!p0 $0x1;
	_ =	shalt  }
.Lfunc_end2:
_tile_overlayer_lowered:
.L_overlay_start_2:
0xfe: {  	(tag) =	ssettag $0x2  }
0xff: {  	s0 =	rddreg [dreg:$0x0];
	s2 =	stileid.u32  }
0x100: {  	s1 =	rddreg [dreg:$0x1];
	p0 =	sne.s32 s2, $0x0  }
0x101: {  	s3 =	rddreg [dreg:$0x2];
	[bflag:$0x3] =	sbarrier.arrive $0xFFFF;
	s2 =	simm.s32 @!p0 $0x1C05  }
0x102: {  	[timem:s3], [sflag:s2] =	dma.local @!p0 [hbm:s0], s1  }
0x103: {  	s0 =	simm.s32 @!p0 $0x5  }
0x104: {  	_ =	swait.ge @!p0 [sflag:s0], s1  }
0x105: {  	s1 =	ssub.s32 @!p0 $0x0, s1;
	[sflag:s0] =	ssyncset.done @!p0 $0x0  }
0x106: {  	[sflag:s0] =	ssyncadd.s32 @!p0 s1  }
0x107: {  	[bflag:$0x3] =	sbarrier.arrive $0xFFFF  }
0x108: {  	_ =	shalt  }

</sc_bundles>
